<compile_context>
chip_gen: v7x
topology: tpu7x:2x2x1
jax: 0.10.2.dev20260603
libtpu: 0.0.44.dev20260713+nightly
codegen_flags: <defaults>
</compile_context>

<pallas_src>
import functools

import jax
import jax.numpy as jnp
from jax import lax
from jax.experimental import pallas as pl
from jax.experimental.pallas import tpu as pltpu
from jax.experimental.pallas import tpu_sc as plsc

K = 64
B, S, D = 4, 2048, 4096
NCORES = 2
NSUB = 16
ROWS_PER_SUB = (B * S) // (NCORES * NSUB)
CH = 8
NCH = ROWS_PER_SUB // CH
NSLOT = 3
LEAD = 2
PF_PER_SUB = 16
SCATTER_WORKERS = K // PF_PER_SUB

_mesh = plsc.VectorSubcoreMesh(core_axis_name="c", subcore_axis_name="s")


@functools.partial(
    pl.kernel,
    out_type=jax.ShapeDtypeStruct((B * S, D), jnp.float32),
    mesh=_mesh,
    scratch_types=[
        pltpu.VMEM((NSLOT * CH, D), jnp.float32),
        pltpu.VMEM((16,), jnp.int32),
        pltpu.VMEM((16,), jnp.int32),
        [pltpu.SemaphoreType.DMA] * NSLOT,
        [pltpu.SemaphoreType.DMA] * NSLOT,
        pltpu.SemaphoreType.DMA,
    ],
)
def _postfix_kernel(x_hbm, seq_hbm, pf_hbm, out_hbm,
                    buf, seq_v, idx_v, gsem, ssem, psem):
    c = lax.axis_index("c")
    s = lax.axis_index("s")
    wid = c * NSUB + s
    row0 = wid * ROWS_PER_SUB
    slot = [buf.at[pl.ds(u * CH, CH)] for u in range(NSLOT)]

    def rows(i):
        return pl.ds(row0 + i * CH, CH)

    def gstart(u, ci):
        pltpu.make_async_copy(x_hbm.at[rows(ci)], slot[u], gsem[u]).start()

    def gwait(u, ci):
        pltpu.make_async_copy(x_hbm.at[rows(ci)], slot[u], gsem[u]).wait()

    def sstart(u, ci):
        pltpu.make_async_copy(slot[u], out_hbm.at[rows(ci)], ssem[u]).start()

    def swait(u, ci):
        pltpu.make_async_copy(slot[u], out_hbm.at[rows(ci)], ssem[u]).wait()

    sm = s % (NSUB // 2)
    is_worker = sm < SCATTER_WORKERS
    b = 2 * c + s // (NSUB // 2)
    j = sm
    pf_stage = buf.at[pl.ds(0, PF_PER_SUB)]
    pf_in = pltpu.make_async_copy(
        pf_hbm.at[pl.ds(j * PF_PER_SUB, PF_PER_SUB)], pf_stage, psem)

    pltpu.sync_copy(seq_hbm.at[b], seq_v)

    def emit_chunk(u, ci, nc_in_range, prev_scatter_outstanding):
        gwait(u, ci)
        sstart(u, ci)
        if nc_in_range:
            un = (u + LEAD) % NSLOT
            if prev_scatter_outstanding:
                swait(un, ci + LEAD - NSLOT)
            gstart(un, ci + LEAD)

    for cc in range(LEAD):
        gstart(cc % NSLOT, cc)

    for cc in range(min(NSLOT, NCH)):
        emit_chunk(cc % NSLOT, cc, cc + LEAD < NCH, cc + LEAD - NSLOT >= 0)

    i_max = (NCH - LEAD - NSLOT) // NSLOT
    if i_max >= 1:
        @pl.loop(1, i_max + 1)
        def _pipe(i):
            base = NSLOT * i
            for u in range(NSLOT):
                emit_chunk(u, base + u, True, True)

    for cc in range(NSLOT * (i_max + 1), NCH):
        emit_chunk(cc % NSLOT, cc, cc + LEAD < NCH, cc + LEAD - NSLOT >= 0)

    for cc in range(NCH - NSLOT, NCH):
        swait(cc % NSLOT, cc)

    @pl.when(is_worker)
    def _():
        pf_in.start()

    plsc.subcore_barrier()

    @pl.when(is_worker)
    def _():
        pf_in.wait()
        lane = lax.iota(jnp.int32, 16)
        idx_v[...] = seq_v[...] + b * S + j * PF_PER_SUB + lane
        pltpu.async_copy(pf_stage, out_hbm.at[idx_v], psem).wait()


def kernel(crossattn_emb, crossattn_seqlens, postfix_embeds):
    x2d = crossattn_emb.reshape(B * S, D)
    seq_bcast = jnp.broadcast_to(
        crossattn_seqlens.astype(jnp.int32)[:, None], (B, 16))
    out2d = _postfix_kernel(x2d, seq_bcast, postfix_embeds)
    return out2d.reshape(B, S, D)

# --- scband reference (transcript-rebuilt; emitter-appended) ---
"""Pipeline reference for scband-postfix-network-9929964388864 (READ-ONLY COPY).

The authoritative reference and input builder live on the scoring server;
editing this copy changes nothing except your own understanding.
"""

import jax, jax.numpy as jnp
import numpy as np

NUM_POSTFIX_TOKENS = 64
EMBED_DIM = 4096
B, S, D = 4, 2048, 4096


def setup_inputs(seed: int = 0) -> dict:
    key = jax.random.key(seed)
    k1, k2, k3 = jax.random.split(key, 3)
    crossattn_emb = jax.random.normal(k1, (B, S, D), dtype=jnp.float32)
    # real text token lengths; must satisfy seqlen + K <= S
    crossattn_seqlens = jax.random.randint(k2, (B,), 0, S - NUM_POSTFIX_TOKENS, dtype=jnp.int64)
    # learned parameter (init_std=1.0 for 'postfix' mode)
    postfix_embeds = jax.random.normal(k3, (NUM_POSTFIX_TOKENS, EMBED_DIM), dtype=jnp.float32)
    return {"crossattn_emb": crossattn_emb, "crossattn_seqlens": crossattn_seqlens, "postfix_embeds": postfix_embeds}


def reference(crossattn_emb, crossattn_seqlens, postfix_embeds):
    # Faithful translation of PostfixNetwork.append_postfix (mode='postfix'):
    # insert learned postfix vectors right after the real text tokens,
    # overwriting the zero-padding, via scatter along dim 1.
    K = postfix_embeds.shape[0]
    Bd, Sd, Dd = crossattn_emb.shape
    postfix = jnp.broadcast_to(postfix_embeds[None, :, :], (Bd, K, Dd)).astype(crossattn_emb.dtype)
    offsets = crossattn_seqlens.astype(jnp.int32)[:, None] + jnp.arange(K, dtype=jnp.int32)[None, :]  # [B, K]
    batch_idx = jnp.arange(Bd, dtype=jnp.int32)[:, None]  # [B, 1] -> broadcast [B, K]
    out = crossattn_emb.at[batch_idx, offsets].set(postfix)
    return out

if __name__ == "__main__":
    import jax
    _d = setup_inputs()
    print(jax.jit(kernel)(*tuple(_d.values())))

</pallas_src>

<mosaic_0001>
#map = affine_map<(d0, d1) -> (0, 0)>
module attributes {stable_mosaic.version = 14 : i64} {
  func.func @_postfix_kernel(%arg0: i32, %arg1: i32, %arg2: memref<8192x4096xf32, #tpu.memory_space<hbm>>, %arg3: memref<4x16xi32, #tpu.memory_space<hbm>>, %arg4: memref<64x4096xf32, #tpu.memory_space<hbm>>, %arg5: memref<8192x4096xf32, #tpu.memory_space<hbm>>, %arg6: memref<24x4096xf32, #tpu.memory_space<vmem>>, %arg7: memref<16xi32, #tpu.memory_space<vmem>>, %arg8: memref<16xi32, #tpu.memory_space<vmem>>, %arg9: memref<!tpu.dma_semaphore, #tpu.memory_space<semaphore_mem>>, %arg10: memref<!tpu.dma_semaphore, #tpu.memory_space<semaphore_mem>>, %arg11: memref<!tpu.dma_semaphore, #tpu.memory_space<semaphore_mem>>, %arg12: memref<!tpu.dma_semaphore, #tpu.memory_space<semaphore_mem>>, %arg13: memref<!tpu.dma_semaphore, #tpu.memory_space<semaphore_mem>>, %arg14: memref<!tpu.dma_semaphore, #tpu.memory_space<semaphore_mem>>, %arg15: memref<!tpu.dma_semaphore, #tpu.memory_space<semaphore_mem>>) attributes {dimension_semantics = [#tpu.dimension_semantics<core_parallel>, #tpu.dimension_semantics<subcore_parallel>], iteration_bounds = array<i64: 2, 16>, scalar_prefetch = 0 : i64, scratch_operands = 10 : i64, tpu.core_type = #tpu.core_type<sc_vector_subcore>, window_params = [{transform_indices = #map}, {transform_indices = #map}, {transform_indices = #map}, {transform_indices = #map}]} {
    %mul3A = arith.constant 16 : i32
    %mul3A_0 = arith.muli %arg0, %mul3A : i32
    %add3A = arith.addi %mul3A_0, %arg1 : i32
    %mul3A_1 = arith.constant 256 : i32
    %mul3A_2 = arith.muli %add3A, %mul3A_1 : i32
    %jit3A = arith.constant 8 : i32
    %eq3A = arith.constant 0 : i32
    %eq3A_3 = arith.cmpi eq, %jit3A, %eq3A : i32
    %jit3A_4 = arith.constant 1 : i32
    %select_n3A = arith.select %eq3A_3, %jit3A_4, %jit3A : i32
    %rem3A = arith.remsi %arg1, %select_n3A : i32
    %ne3A = arith.constant 0 : i32
    %ne3A_5 = arith.cmpi ne, %rem3A, %ne3A : i32
    %lt3A = arith.constant 0 : i32
    %lt3A_6 = arith.cmpi slt, %rem3A, %lt3A : i32
    %lt3A_7 = arith.constant 0 : i32
    %lt3A_8 = arith.cmpi slt, %select_n3A, %lt3A_7 : i32
    %ne3A_9 = arith.xori %lt3A_6, %lt3A_8 : i1
    %and3A = arith.andi %ne3A_9, %ne3A_5 : i1
    %add3A_10 = arith.addi %rem3A, %select_n3A : i32
    %select_n3A_11 = arith.select %and3A, %add3A_10, %rem3A : i32
    %lt3A_12 = arith.constant 4 : i32
    %lt3A_13 = arith.cmpi slt, %select_n3A_11, %lt3A_12 : i32
    %mul3A_14 = arith.constant 2 : i32
    %mul3A_15 = arith.muli %mul3A_14, %arg0 : i32
    %jit3A_16 = arith.constant 8 : i32
    %div3A = arith.divsi %arg1, %jit3A_16 : i32
    %sign3A = arith.constant 0 : i32
    %sign3A_17 = arith.cmpi sgt, %arg1, %sign3A : i32
    %sign3A_18 = arith.extui %sign3A_17 : i1 to i32
    %sign3A_19 = arith.constant 0 : i32
    %sign3A_20 = arith.cmpi slt, %arg1, %sign3A_19 : i32
    %sign3A_21 = arith.extui %sign3A_20 : i1 to i32
    %sign3A_22 = arith.subi %sign3A_18, %sign3A_21 : i32
    %sign3A_23 = arith.constant 0 : i32
    %sign3A_24 = arith.cmpi sgt, %jit3A_16, %sign3A_23 : i32
    %sign3A_25 = arith.extui %sign3A_24 : i1 to i32
    %sign3A_26 = arith.constant 0 : i32
    %sign3A_27 = arith.cmpi slt, %jit3A_16, %sign3A_26 : i32
    %sign3A_28 = arith.extui %sign3A_27 : i1 to i32
    %sign3A_29 = arith.subi %sign3A_25, %sign3A_28 : i32
    %ne3A_30 = arith.cmpi ne, %sign3A_22, %sign3A_29 : i32
    %rem3A_31 = arith.remsi %arg1, %jit3A_16 : i32
    %ne3A_32 = arith.constant 0 : i32
    %ne3A_33 = arith.cmpi ne, %rem3A_31, %ne3A_32 : i32
    %and3A_34 = arith.andi %ne3A_30, %ne3A_33 : i1
    %sub3A = arith.constant 1 : i32
    %sub3A_35 = arith.subi %div3A, %sub3A : i32
    %select_n3A_36 = arith.select %and3A_34, %sub3A_35, %div3A : i32
    %add3A_37 = arith.addi %mul3A_15, %select_n3A_36 : i32
    %mul3A_38 = arith.constant 16 : i32
    %mul3A_39 = arith.muli %select_n3A_11, %mul3A_38 : i32
    "tpu.region"() ({
      %run_scoped3A = tpu.sem_alloc : memref<!tpu.dma_semaphore, #tpu.memory_space<semaphore_mem>>
      %dma_start3A_286 = arith.constant 0 : i32
      %dma_start3A_287 = tpu.memref_slice %arg3[%add3A_37, %dma_start3A_286] : memref<4x16xi32, #tpu.memory_space<hbm>> -> memref<1x16xi32, #tpu.memory_space<hbm>>
      %dma_start3A_288 = tpu.memref_squeeze %dma_start3A_287 : memref<1x16xi32, #tpu.memory_space<hbm>> -> memref<16xi32, #tpu.memory_space<hbm>>
      %dma_start3A_289 = arith.constant 0 : i32
      %dma_start3A_290 = tpu.memref_slice %arg3[%add3A_37, %dma_start3A_289] : memref<4x16xi32, #tpu.memory_space<hbm>> -> memref<1x16xi32, #tpu.memory_space<hbm>>
      %dma_start3A_291 = tpu.memref_squeeze %dma_start3A_290 : memref<1x16xi32, #tpu.memory_space<hbm>> -> memref<16xi32, #tpu.memory_space<hbm>>
      tpu.enqueue_dma source(%dma_start3A_291 : memref<16xi32, #tpu.memory_space<hbm>>) target(%arg7 : memref<16xi32, #tpu.memory_space<vmem>>) target_semaphore(%run_scoped3A : memref<!tpu.dma_semaphore, #tpu.memory_space<semaphore_mem>>)
      %dma_wait3A_292 = arith.constant 0 : i32
      %dma_wait3A_293 = tpu.memref_slice %arg3[%add3A_37, %dma_wait3A_292] : memref<4x16xi32, #tpu.memory_space<hbm>> -> memref<1x16xi32, #tpu.memory_space<hbm>>
      %dma_wait3A_294 = tpu.memref_squeeze %dma_wait3A_293 : memref<1x16xi32, #tpu.memory_space<hbm>> -> memref<16xi32, #tpu.memory_space<hbm>>
      %dma_wait3A_295 = arith.constant 0 : i32
      %dma_wait3A_296 = tpu.memref_slice %arg3[%add3A_37, %dma_wait3A_295] : memref<4x16xi32, #tpu.memory_space<hbm>> -> memref<1x16xi32, #tpu.memory_space<hbm>>
      %dma_wait3A_297 = tpu.memref_squeeze %dma_wait3A_296 : memref<1x16xi32, #tpu.memory_space<hbm>> -> memref<16xi32, #tpu.memory_space<hbm>>
      tpu.wait_dma2 semaphore(%run_scoped3A : memref<!tpu.dma_semaphore, #tpu.memory_space<semaphore_mem>>) src(%dma_wait3A_297 : memref<16xi32, #tpu.memory_space<hbm>>) dst(%arg7 : memref<16xi32, #tpu.memory_space<vmem>>)
      tpu.yield
    }) : () -> ()
    %add3A_40 = arith.constant 0 : i32
    %add3A_41 = arith.addi %mul3A_2, %add3A_40 : i32
    %dma_start3A = arith.constant 0 : i32
    %dma_start3A_42 = arith.constant 0 : i32
    %dma_start3A_43 = tpu.memref_slice %arg6[%dma_start3A, %dma_start3A_42] : memref<24x4096xf32, #tpu.memory_space<vmem>> -> memref<8x4096xf32, #tpu.memory_space<vmem>>
    %dma_start3A_44 = arith.constant 0 : i32
    %dma_start3A_45 = tpu.memref_slice %arg2[%add3A_41, %dma_start3A_44] : memref<8192x4096xf32, #tpu.memory_space<hbm>> -> memref<8x4096xf32, #tpu.memory_space<hbm>>
    %dma_start3A_46 = arith.constant 0 : i32
    %dma_start3A_47 = arith.constant 0 : i32
    %dma_start3A_48 = tpu.memref_slice %arg6[%dma_start3A_46, %dma_start3A_47] : memref<24x4096xf32, #tpu.memory_space<vmem>> -> memref<8x4096xf32, #tpu.memory_space<vmem>>
    %dma_start3A_49 = arith.constant 0 : i32
    %dma_start3A_50 = tpu.memref_slice %arg2[%add3A_41, %dma_start3A_49] : memref<8192x4096xf32, #tpu.memory_space<hbm>> -> memref<8x4096xf32, #tpu.memory_space<hbm>>
    tpu.enqueue_dma source(%dma_start3A_50 : memref<8x4096xf32, #tpu.memory_space<hbm>>) target(%dma_start3A_48 : memref<8x4096xf32, #tpu.memory_space<vmem>>) target_semaphore(%arg9 : memref<!tpu.dma_semaphore, #tpu.memory_space<semaphore_mem>>)
    %add3A_51 = arith.constant 8 : i32
    %add3A_52 = arith.addi %mul3A_2, %add3A_51 : i32
    %dma_start3A_53 = arith.constant 8 : i32
    %dma_start3A_54 = arith.constant 0 : i32
    %dma_start3A_55 = tpu.memref_slice %arg6[%dma_start3A_53, %dma_start3A_54] : memref<24x4096xf32, #tpu.memory_space<vmem>> -> memref<8x4096xf32, #tpu.memory_space<vmem>>
    %dma_start3A_56 = arith.constant 0 : i32
    %dma_start3A_57 = tpu.memref_slice %arg2[%add3A_52, %dma_start3A_56] : memref<8192x4096xf32, #tpu.memory_space<hbm>> -> memref<8x4096xf32, #tpu.memory_space<hbm>>
    %dma_start3A_58 = arith.constant 8 : i32
    %dma_start3A_59 = arith.constant 0 : i32
    %dma_start3A_60 = tpu.memref_slice %arg6[%dma_start3A_58, %dma_start3A_59] : memref<24x4096xf32, #tpu.memory_space<vmem>> -> memref<8x4096xf32, #tpu.memory_space<vmem>>
    %dma_start3A_61 = arith.constant 0 : i32
    %dma_start3A_62 = tpu.memref_slice %arg2[%add3A_52, %dma_start3A_61] : memref<8192x4096xf32, #tpu.memory_space<hbm>> -> memref<8x4096xf32, #tpu.memory_space<hbm>>
    tpu.enqueue_dma source(%dma_start3A_62 : memref<8x4096xf32, #tpu.memory_space<hbm>>) target(%dma_start3A_60 : memref<8x4096xf32, #tpu.memory_space<vmem>>) target_semaphore(%arg10 : memref<!tpu.dma_semaphore, #tpu.memory_space<semaphore_mem>>)
    %add3A_63 = arith.constant 0 : i32
    %add3A_64 = arith.addi %mul3A_2, %add3A_63 : i32
    %dma_wait3A = arith.constant 0 : i32
    %dma_wait3A_65 = arith.constant 0 : i32
    %dma_wait3A_66 = tpu.memref_slice %arg6[%dma_wait3A, %dma_wait3A_65] : memref<24x4096xf32, #tpu.memory_space<vmem>> -> memref<8x4096xf32, #tpu.memory_space<vmem>>
    %dma_wait3A_67 = arith.constant 0 : i32
    %dma_wait3A_68 = tpu.memref_slice %arg2[%add3A_64, %dma_wait3A_67] : memref<8192x4096xf32, #tpu.memory_space<hbm>> -> memref<8x4096xf32, #tpu.memory_space<hbm>>
    %dma_wait3A_69 = arith.constant 0 : i32
    %dma_wait3A_70 = arith.constant 0 : i32
    %dma_wait3A_71 = tpu.memref_slice %arg6[%dma_wait3A_69, %dma_wait3A_70] : memref<24x4096xf32, #tpu.memory_space<vmem>> -> memref<8x4096xf32, #tpu.memory_space<vmem>>
    %dma_wait3A_72 = arith.constant 0 : i32
    %dma_wait3A_73 = tpu.memref_slice %arg2[%add3A_64, %dma_wait3A_72] : memref<8192x4096xf32, #tpu.memory_space<hbm>> -> memref<8x4096xf32, #tpu.memory_space<hbm>>
    tpu.wait_dma2 semaphore(%arg9 : memref<!tpu.dma_semaphore, #tpu.memory_space<semaphore_mem>>) src(%dma_wait3A_73 : memref<8x4096xf32, #tpu.memory_space<hbm>>) dst(%dma_wait3A_71 : memref<8x4096xf32, #tpu.memory_space<vmem>>)
    %add3A_74 = arith.constant 0 : i32
    %add3A_75 = arith.addi %mul3A_2, %add3A_74 : i32
    %dma_start3A_76 = arith.constant 0 : i32
    %dma_start3A_77 = arith.constant 0 : i32
    %dma_start3A_78 = tpu.memref_slice %arg6[%dma_start3A_76, %dma_start3A_77] : memref<24x4096xf32, #tpu.memory_space<vmem>> -> memref<8x4096xf32, #tpu.memory_space<vmem>>
    %dma_start3A_79 = arith.constant 0 : i32
    %dma_start3A_80 = tpu.memref_slice %arg5[%add3A_75, %dma_start3A_79] : memref<8192x4096xf32, #tpu.memory_space<hbm>> -> memref<8x4096xf32, #tpu.memory_space<hbm>>
    %dma_start3A_81 = arith.constant 0 : i32
    %dma_start3A_82 = tpu.memref_slice %arg5[%add3A_75, %dma_start3A_81] : memref<8192x4096xf32, #tpu.memory_space<hbm>> -> memref<8x4096xf32, #tpu.memory_space<hbm>>
    %dma_start3A_83 = arith.constant 0 : i32
    %dma_start3A_84 = arith.constant 0 : i32
    %dma_start3A_85 = tpu.memref_slice %arg6[%dma_start3A_83, %dma_start3A_84] : memref<24x4096xf32, #tpu.memory_space<vmem>> -> memref<8x4096xf32, #tpu.memory_space<vmem>>
    tpu.enqueue_dma source(%dma_start3A_85 : memref<8x4096xf32, #tpu.memory_space<vmem>>) target(%dma_start3A_82 : memref<8x4096xf32, #tpu.memory_space<hbm>>) target_semaphore(%arg12 : memref<!tpu.dma_semaphore, #tpu.memory_space<semaphore_mem>>)
    %add3A_86 = arith.constant 16 : i32
    %add3A_87 = arith.addi %mul3A_2, %add3A_86 : i32
    %dma_start3A_88 = arith.constant 16 : i32
    %dma_start3A_89 = arith.constant 0 : i32
    %dma_start3A_90 = tpu.memref_slice %arg6[%dma_start3A_88, %dma_start3A_89] : memref<24x4096xf32, #tpu.memory_space<vmem>> -> memref<8x4096xf32, #tpu.memory_space<vmem>>
    %dma_start3A_91 = arith.constant 0 : i32
    %dma_start3A_92 = tpu.memref_slice %arg2[%add3A_87, %dma_start3A_91] : memref<8192x4096xf32, #tpu.memory_space<hbm>> -> memref<8x4096xf32, #tpu.memory_space<hbm>>
    %dma_start3A_93 = arith.constant 16 : i32
    %dma_start3A_94 = arith.constant 0 : i32
    %dma_start3A_95 = tpu.memref_slice %arg6[%dma_start3A_93, %dma_start3A_94] : memref<24x4096xf32, #tpu.memory_space<vmem>> -> memref<8x4096xf32, #tpu.memory_space<vmem>>
    %dma_start3A_96 = arith.constant 0 : i32
    %dma_start3A_97 = tpu.memref_slice %arg2[%add3A_87, %dma_start3A_96] : memref<8192x4096xf32, #tpu.memory_space<hbm>> -> memref<8x4096xf32, #tpu.memory_space<hbm>>
    tpu.enqueue_dma source(%dma_start3A_97 : memref<8x4096xf32, #tpu.memory_space<hbm>>) target(%dma_start3A_95 : memref<8x4096xf32, #tpu.memory_space<vmem>>) target_semaphore(%arg11 : memref<!tpu.dma_semaphore, #tpu.memory_space<semaphore_mem>>)
    %add3A_98 = arith.constant 8 : i32
    %add3A_99 = arith.addi %mul3A_2, %add3A_98 : i32
    %dma_wait3A_100 = arith.constant 8 : i32
    %dma_wait3A_101 = arith.constant 0 : i32
    %dma_wait3A_102 = tpu.memref_slice %arg6[%dma_wait3A_100, %dma_wait3A_101] : memref<24x4096xf32, #tpu.memory_space<vmem>> -> memref<8x4096xf32, #tpu.memory_space<vmem>>
    %dma_wait3A_103 = arith.constant 0 : i32
    %dma_wait3A_104 = tpu.memref_slice %arg2[%add3A_99, %dma_wait3A_103] : memref<8192x4096xf32, #tpu.memory_space<hbm>> -> memref<8x4096xf32, #tpu.memory_space<hbm>>
    %dma_wait3A_105 = arith.constant 8 : i32
    %dma_wait3A_106 = arith.constant 0 : i32
    %dma_wait3A_107 = tpu.memref_slice %arg6[%dma_wait3A_105, %dma_wait3A_106] : memref<24x4096xf32, #tpu.memory_space<vmem>> -> memref<8x4096xf32, #tpu.memory_space<vmem>>
    %dma_wait3A_108 = arith.constant 0 : i32
    %dma_wait3A_109 = tpu.memref_slice %arg2[%add3A_99, %dma_wait3A_108] : memref<8192x4096xf32, #tpu.memory_space<hbm>> -> memref<8x4096xf32, #tpu.memory_space<hbm>>
    tpu.wait_dma2 semaphore(%arg10 : memref<!tpu.dma_semaphore, #tpu.memory_space<semaphore_mem>>) src(%dma_wait3A_109 : memref<8x4096xf32, #tpu.memory_space<hbm>>) dst(%dma_wait3A_107 : memref<8x4096xf32, #tpu.memory_space<vmem>>)
    %add3A_110 = arith.constant 8 : i32
    %add3A_111 = arith.addi %mul3A_2, %add3A_110 : i32
    %dma_start3A_112 = arith.constant 8 : i32
    %dma_start3A_113 = arith.constant 0 : i32
    %dma_start3A_114 = tpu.memref_slice %arg6[%dma_start3A_112, %dma_start3A_113] : memref<24x4096xf32, #tpu.memory_space<vmem>> -> memref<8x4096xf32, #tpu.memory_space<vmem>>
    %dma_start3A_115 = arith.constant 0 : i32
    %dma_start3A_116 = tpu.memref_slice %arg5[%add3A_111, %dma_start3A_115] : memref<8192x4096xf32, #tpu.memory_space<hbm>> -> memref<8x4096xf32, #tpu.memory_space<hbm>>
    %dma_start3A_117 = arith.constant 0 : i32
    %dma_start3A_118 = tpu.memref_slice %arg5[%add3A_111, %dma_start3A_117] : memref<8192x4096xf32, #tpu.memory_space<hbm>> -> memref<8x4096xf32, #tpu.memory_space<hbm>>
    %dma_start3A_119 = arith.constant 8 : i32
    %dma_start3A_120 = arith.constant 0 : i32
    %dma_start3A_121 = tpu.memref_slice %arg6[%dma_start3A_119, %dma_start3A_120] : memref<24x4096xf32, #tpu.memory_space<vmem>> -> memref<8x4096xf32, #tpu.memory_space<vmem>>
    tpu.enqueue_dma source(%dma_start3A_121 : memref<8x4096xf32, #tpu.memory_space<vmem>>) target(%dma_start3A_118 : memref<8x4096xf32, #tpu.memory_space<hbm>>) target_semaphore(%arg13 : memref<!tpu.dma_semaphore, #tpu.memory_space<semaphore_mem>>)
    %add3A_122 = arith.constant 0 : i32
    %add3A_123 = arith.addi %mul3A_2, %add3A_122 : i32
    %dma_wait3A_124 = arith.constant 0 : i32
    %dma_wait3A_125 = arith.constant 0 : i32
    %dma_wait3A_126 = tpu.memref_slice %arg6[%dma_wait3A_124, %dma_wait3A_125] : memref<24x4096xf32, #tpu.memory_space<vmem>> -> memref<8x4096xf32, #tpu.memory_space<vmem>>
    %dma_wait3A_127 = arith.constant 0 : i32
    %dma_wait3A_128 = tpu.memref_slice %arg5[%add3A_123, %dma_wait3A_127] : memref<8192x4096xf32, #tpu.memory_space<hbm>> -> memref<8x4096xf32, #tpu.memory_space<hbm>>
    %dma_wait3A_129 = arith.constant 0 : i32
    %dma_wait3A_130 = tpu.memref_slice %arg5[%add3A_123, %dma_wait3A_129] : memref<8192x4096xf32, #tpu.memory_space<hbm>> -> memref<8x4096xf32, #tpu.memory_space<hbm>>
    %dma_wait3A_131 = arith.constant 0 : i32
    %dma_wait3A_132 = arith.constant 0 : i32
    %dma_wait3A_133 = tpu.memref_slice %arg6[%dma_wait3A_131, %dma_wait3A_132] : memref<24x4096xf32, #tpu.memory_space<vmem>> -> memref<8x4096xf32, #tpu.memory_space<vmem>>
    tpu.wait_dma2 semaphore(%arg12 : memref<!tpu.dma_semaphore, #tpu.memory_space<semaphore_mem>>) src(%dma_wait3A_133 : memref<8x4096xf32, #tpu.memory_space<vmem>>) dst(%dma_wait3A_130 : memref<8x4096xf32, #tpu.memory_space<hbm>>)
    %add3A_134 = arith.constant 24 : i32
    %add3A_135 = arith.addi %mul3A_2, %add3A_134 : i32
    %dma_start3A_136 = arith.constant 0 : i32
    %dma_start3A_137 = arith.constant 0 : i32
    %dma_start3A_138 = tpu.memref_slice %arg6[%dma_start3A_136, %dma_start3A_137] : memref<24x4096xf32, #tpu.memory_space<vmem>> -> memref<8x4096xf32, #tpu.memory_space<vmem>>
    %dma_start3A_139 = arith.constant 0 : i32
    %dma_start3A_140 = tpu.memref_slice %arg2[%add3A_135, %dma_start3A_139] : memref<8192x4096xf32, #tpu.memory_space<hbm>> -> memref<8x4096xf32, #tpu.memory_space<hbm>>
    %dma_start3A_141 = arith.constant 0 : i32
    %dma_start3A_142 = arith.constant 0 : i32
    %dma_start3A_143 = tpu.memref_slice %arg6[%dma_start3A_141, %dma_start3A_142] : memref<24x4096xf32, #tpu.memory_space<vmem>> -> memref<8x4096xf32, #tpu.memory_space<vmem>>
    %dma_start3A_144 = arith.constant 0 : i32
    %dma_start3A_145 = tpu.memref_slice %arg2[%add3A_135, %dma_start3A_144] : memref<8192x4096xf32, #tpu.memory_space<hbm>> -> memref<8x4096xf32, #tpu.memory_space<hbm>>
    tpu.enqueue_dma source(%dma_start3A_145 : memref<8x4096xf32, #tpu.memory_space<hbm>>) target(%dma_start3A_143 : memref<8x4096xf32, #tpu.memory_space<vmem>>) target_semaphore(%arg9 : memref<!tpu.dma_semaphore, #tpu.memory_space<semaphore_mem>>)
    %add3A_146 = arith.constant 16 : i32
    %add3A_147 = arith.addi %mul3A_2, %add3A_146 : i32
    %dma_wait3A_148 = arith.constant 16 : i32
    %dma_wait3A_149 = arith.constant 0 : i32
    %dma_wait3A_150 = tpu.memref_slice %arg6[%dma_wait3A_148, %dma_wait3A_149] : memref<24x4096xf32, #tpu.memory_space<vmem>> -> memref<8x4096xf32, #tpu.memory_space<vmem>>
    %dma_wait3A_151 = arith.constant 0 : i32
    %dma_wait3A_152 = tpu.memref_slice %arg2[%add3A_147, %dma_wait3A_151] : memref<8192x4096xf32, #tpu.memory_space<hbm>> -> memref<8x4096xf32, #tpu.memory_space<hbm>>
    %dma_wait3A_153 = arith.constant 16 : i32
    %dma_wait3A_154 = arith.constant 0 : i32
    %dma_wait3A_155 = tpu.memref_slice %arg6[%dma_wait3A_153, %dma_wait3A_154] : memref<24x4096xf32, #tpu.memory_space<vmem>> -> memref<8x4096xf32, #tpu.memory_space<vmem>>
    %dma_wait3A_156 = arith.constant 0 : i32
    %dma_wait3A_157 = tpu.memref_slice %arg2[%add3A_147, %dma_wait3A_156] : memref<8192x4096xf32, #tpu.memory_space<hbm>> -> memref<8x4096xf32, #tpu.memory_space<hbm>>
    tpu.wait_dma2 semaphore(%arg11 : memref<!tpu.dma_semaphore, #tpu.memory_space<semaphore_mem>>) src(%dma_wait3A_157 : memref<8x4096xf32, #tpu.memory_space<hbm>>) dst(%dma_wait3A_155 : memref<8x4096xf32, #tpu.memory_space<vmem>>)
    %add3A_158 = arith.constant 16 : i32
    %add3A_159 = arith.addi %mul3A_2, %add3A_158 : i32
    %dma_start3A_160 = arith.constant 16 : i32
    %dma_start3A_161 = arith.constant 0 : i32
    %dma_start3A_162 = tpu.memref_slice %arg6[%dma_start3A_160, %dma_start3A_161] : memref<24x4096xf32, #tpu.memory_space<vmem>> -> memref<8x4096xf32, #tpu.memory_space<vmem>>
    %dma_start3A_163 = arith.constant 0 : i32
    %dma_start3A_164 = tpu.memref_slice %arg5[%add3A_159, %dma_start3A_163] : memref<8192x4096xf32, #tpu.memory_space<hbm>> -> memref<8x4096xf32, #tpu.memory_space<hbm>>
    %dma_start3A_165 = arith.constant 0 : i32
    %dma_start3A_166 = tpu.memref_slice %arg5[%add3A_159, %dma_start3A_165] : memref<8192x4096xf32, #tpu.memory_space<hbm>> -> memref<8x4096xf32, #tpu.memory_space<hbm>>
    %dma_start3A_167 = arith.constant 16 : i32
    %dma_start3A_168 = arith.constant 0 : i32
    %dma_start3A_169 = tpu.memref_slice %arg6[%dma_start3A_167, %dma_start3A_168] : memref<24x4096xf32, #tpu.memory_space<vmem>> -> memref<8x4096xf32, #tpu.memory_space<vmem>>
    tpu.enqueue_dma source(%dma_start3A_169 : memref<8x4096xf32, #tpu.memory_space<vmem>>) target(%dma_start3A_166 : memref<8x4096xf32, #tpu.memory_space<hbm>>) target_semaphore(%arg14 : memref<!tpu.dma_semaphore, #tpu.memory_space<semaphore_mem>>)
    %add3A_170 = arith.constant 8 : i32
    %add3A_171 = arith.addi %mul3A_2, %add3A_170 : i32
    %dma_wait3A_172 = arith.constant 8 : i32
    %dma_wait3A_173 = arith.constant 0 : i32
    %dma_wait3A_174 = tpu.memref_slice %arg6[%dma_wait3A_172, %dma_wait3A_173] : memref<24x4096xf32, #tpu.memory_space<vmem>> -> memref<8x4096xf32, #tpu.memory_space<vmem>>
    %dma_wait3A_175 = arith.constant 0 : i32
    %dma_wait3A_176 = tpu.memref_slice %arg5[%add3A_171, %dma_wait3A_175] : memref<8192x4096xf32, #tpu.memory_space<hbm>> -> memref<8x4096xf32, #tpu.memory_space<hbm>>
    %dma_wait3A_177 = arith.constant 0 : i32
    %dma_wait3A_178 = tpu.memref_slice %arg5[%add3A_171, %dma_wait3A_177] : memref<8192x4096xf32, #tpu.memory_space<hbm>> -> memref<8x4096xf32, #tpu.memory_space<hbm>>
    %dma_wait3A_179 = arith.constant 8 : i32
    %dma_wait3A_180 = arith.constant 0 : i32
    %dma_wait3A_181 = tpu.memref_slice %arg6[%dma_wait3A_179, %dma_wait3A_180] : memref<24x4096xf32, #tpu.memory_space<vmem>> -> memref<8x4096xf32, #tpu.memory_space<vmem>>
    tpu.wait_dma2 semaphore(%arg13 : memref<!tpu.dma_semaphore, #tpu.memory_space<semaphore_mem>>) src(%dma_wait3A_181 : memref<8x4096xf32, #tpu.memory_space<vmem>>) dst(%dma_wait3A_178 : memref<8x4096xf32, #tpu.memory_space<hbm>>)
    %add3A_182 = arith.constant 32 : i32
    %add3A_183 = arith.addi %mul3A_2, %add3A_182 : i32
    %dma_start3A_184 = arith.constant 8 : i32
    %dma_start3A_185 = arith.constant 0 : i32
    %dma_start3A_186 = tpu.memref_slice %arg6[%dma_start3A_184, %dma_start3A_185] : memref<24x4096xf32, #tpu.memory_space<vmem>> -> memref<8x4096xf32, #tpu.memory_space<vmem>>
    %dma_start3A_187 = arith.constant 0 : i32
    %dma_start3A_188 = tpu.memref_slice %arg2[%add3A_183, %dma_start3A_187] : memref<8192x4096xf32, #tpu.memory_space<hbm>> -> memref<8x4096xf32, #tpu.memory_space<hbm>>
    %dma_start3A_189 = arith.constant 8 : i32
    %dma_start3A_190 = arith.constant 0 : i32
    %dma_start3A_191 = tpu.memref_slice %arg6[%dma_start3A_189, %dma_start3A_190] : memref<24x4096xf32, #tpu.memory_space<vmem>> -> memref<8x4096xf32, #tpu.memory_space<vmem>>
    %dma_start3A_192 = arith.constant 0 : i32
    %dma_start3A_193 = tpu.memref_slice %arg2[%add3A_183, %dma_start3A_192] : memref<8192x4096xf32, #tpu.memory_space<hbm>> -> memref<8x4096xf32, #tpu.memory_space<hbm>>
    tpu.enqueue_dma source(%dma_start3A_193 : memref<8x4096xf32, #tpu.memory_space<hbm>>) target(%dma_start3A_191 : memref<8x4096xf32, #tpu.memory_space<vmem>>) target_semaphore(%arg10 : memref<!tpu.dma_semaphore, #tpu.memory_space<semaphore_mem>>)
    %scan3A = arith.constant 0 : i32
    %scan3A_194 = arith.constant 9 : i32
    %scan3A_195 = arith.addi %scan3A, %scan3A_194 : i32
    %scan3A_196 = arith.constant 1 : i32
    scf.for %scan3A_286 = %scan3A to %scan3A_195 step %scan3A_196  : i32 {
      %mul3A_287 = arith.constant 1 : i32
      %mul3A_288 = arith.muli %scan3A_286, %mul3A_287 : i32
      %add3A_289 = arith.constant 1 : i32
      %add3A_290 = arith.addi %add3A_289, %mul3A_288 : i32
      %mul3A_291 = arith.constant 3 : i32
      %mul3A_292 = arith.muli %mul3A_291, %add3A_290 : i32
      %add3A_293 = arith.constant 0 : i32
      %add3A_294 = arith.addi %mul3A_292, %add3A_293 : i32
      %mul3A_295 = arith.constant 8 : i32
      %mul3A_296 = arith.muli %add3A_294, %mul3A_295 : i32
      %add3A_297 = arith.addi %mul3A_2, %mul3A_296 : i32
      %dma_wait3A_298 = arith.constant 0 : i32
      %dma_wait3A_299 = arith.constant 0 : i32
      %dma_wait3A_300 = tpu.memref_slice %arg6[%dma_wait3A_298, %dma_wait3A_299] : memref<24x4096xf32, #tpu.memory_space<vmem>> -> memref<8x4096xf32, #tpu.memory_space<vmem>>
      %dma_wait3A_301 = arith.constant 0 : i32
      %dma_wait3A_302 = tpu.memref_slice %arg2[%add3A_297, %dma_wait3A_301] : memref<8192x4096xf32, #tpu.memory_space<hbm>> -> memref<8x4096xf32, #tpu.memory_space<hbm>>
      %dma_wait3A_303 = arith.constant 0 : i32
      %dma_wait3A_304 = arith.constant 0 : i32
      %dma_wait3A_305 = tpu.memref_slice %arg6[%dma_wait3A_303, %dma_wait3A_304] : memref<24x4096xf32, #tpu.memory_space<vmem>> -> memref<8x4096xf32, #tpu.memory_space<vmem>>
      %dma_wait3A_306 = arith.constant 0 : i32
      %dma_wait3A_307 = tpu.memref_slice %arg2[%add3A_297, %dma_wait3A_306] : memref<8192x4096xf32, #tpu.memory_space<hbm>> -> memref<8x4096xf32, #tpu.memory_space<hbm>>
      tpu.wait_dma2 semaphore(%arg9 : memref<!tpu.dma_semaphore, #tpu.memory_space<semaphore_mem>>) src(%dma_wait3A_307 : memref<8x4096xf32, #tpu.memory_space<hbm>>) dst(%dma_wait3A_305 : memref<8x4096xf32, #tpu.memory_space<vmem>>)
      %mul3A_308 = arith.constant 8 : i32
      %mul3A_309 = arith.muli %add3A_294, %mul3A_308 : i32
      %add3A_310 = arith.addi %mul3A_2, %mul3A_309 : i32
      %dma_start3A_311 = arith.constant 0 : i32
      %dma_start3A_312 = arith.constant 0 : i32
      %dma_start3A_313 = tpu.memref_slice %arg6[%dma_start3A_311, %dma_start3A_312] : memref<24x4096xf32, #tpu.memory_space<vmem>> -> memref<8x4096xf32, #tpu.memory_space<vmem>>
      %dma_start3A_314 = arith.constant 0 : i32
      %dma_start3A_315 = tpu.memref_slice %arg5[%add3A_310, %dma_start3A_314] : memref<8192x4096xf32, #tpu.memory_space<hbm>> -> memref<8x4096xf32, #tpu.memory_space<hbm>>
      %dma_start3A_316 = arith.constant 0 : i32
      %dma_start3A_317 = tpu.memref_slice %arg5[%add3A_310, %dma_start3A_316] : memref<8192x4096xf32, #tpu.memory_space<hbm>> -> memref<8x4096xf32, #tpu.memory_space<hbm>>
      %dma_start3A_318 = arith.constant 0 : i32
      %dma_start3A_319 = arith.constant 0 : i32
      %dma_start3A_320 = tpu.memref_slice %arg6[%dma_start3A_318, %dma_start3A_319] : memref<24x4096xf32, #tpu.memory_space<vmem>> -> memref<8x4096xf32, #tpu.memory_space<vmem>>
      tpu.enqueue_dma source(%dma_start3A_320 : memref<8x4096xf32, #tpu.memory_space<vmem>>) target(%dma_start3A_317 : memref<8x4096xf32, #tpu.memory_space<hbm>>) target_semaphore(%arg12 : memref<!tpu.dma_semaphore, #tpu.memory_space<semaphore_mem>>)
      %add3A_321 = arith.constant 2 : i32
      %add3A_322 = arith.addi %add3A_294, %add3A_321 : i32
      %sub3A_323 = arith.constant 3 : i32
      %sub3A_324 = arith.subi %add3A_322, %sub3A_323 : i32
      %mul3A_325 = arith.constant 8 : i32
      %mul3A_326 = arith.muli %sub3A_324, %mul3A_325 : i32
      %add3A_327 = arith.addi %mul3A_2, %mul3A_326 : i32
      %dma_wait3A_328 = arith.constant 16 : i32
      %dma_wait3A_329 = arith.constant 0 : i32
      %dma_wait3A_330 = tpu.memref_slice %arg6[%dma_wait3A_328, %dma_wait3A_329] : memref<24x4096xf32, #tpu.memory_space<vmem>> -> memref<8x4096xf32, #tpu.memory_space<vmem>>
      %dma_wait3A_331 = arith.constant 0 : i32
      %dma_wait3A_332 = tpu.memref_slice %arg5[%add3A_327, %dma_wait3A_331] : memref<8192x4096xf32, #tpu.memory_space<hbm>> -> memref<8x4096xf32, #tpu.memory_space<hbm>>
      %dma_wait3A_333 = arith.constant 0 : i32
      %dma_wait3A_334 = tpu.memref_slice %arg5[%add3A_327, %dma_wait3A_333] : memref<8192x4096xf32, #tpu.memory_space<hbm>> -> memref<8x4096xf32, #tpu.memory_space<hbm>>
      %dma_wait3A_335 = arith.constant 16 : i32
      %dma_wait3A_336 = arith.constant 0 : i32
      %dma_wait3A_337 = tpu.memref_slice %arg6[%dma_wait3A_335, %dma_wait3A_336] : memref<24x4096xf32, #tpu.memory_space<vmem>> -> memref<8x4096xf32, #tpu.memory_space<vmem>>
      tpu.wait_dma2 semaphore(%arg14 : memref<!tpu.dma_semaphore, #tpu.memory_space<semaphore_mem>>) src(%dma_wait3A_337 : memref<8x4096xf32, #tpu.memory_space<vmem>>) dst(%dma_wait3A_334 : memref<8x4096xf32, #tpu.memory_space<hbm>>)
      %add3A_338 = arith.constant 2 : i32
      %add3A_339 = arith.addi %add3A_294, %add3A_338 : i32
      %mul3A_340 = arith.constant 8 : i32
      %mul3A_341 = arith.muli %add3A_339, %mul3A_340 : i32
      %add3A_342 = arith.addi %mul3A_2, %mul3A_341 : i32
      %dma_start3A_343 = arith.constant 16 : i32
      %dma_start3A_344 = arith.constant 0 : i32
      %dma_start3A_345 = tpu.memref_slice %arg6[%dma_start3A_343, %dma_start3A_344] : memref<24x4096xf32, #tpu.memory_space<vmem>> -> memref<8x4096xf32, #tpu.memory_space<vmem>>
      %dma_start3A_346 = arith.constant 0 : i32
      %dma_start3A_347 = tpu.memref_slice %arg2[%add3A_342, %dma_start3A_346] : memref<8192x4096xf32, #tpu.memory_space<hbm>> -> memref<8x4096xf32, #tpu.memory_space<hbm>>
      %dma_start3A_348 = arith.constant 16 : i32
      %dma_start3A_349 = arith.constant 0 : i32
      %dma_start3A_350 = tpu.memref_slice %arg6[%dma_start3A_348, %dma_start3A_349] : memref<24x4096xf32, #tpu.memory_space<vmem>> -> memref<8x4096xf32, #tpu.memory_space<vmem>>
      %dma_start3A_351 = arith.constant 0 : i32
      %dma_start3A_352 = tpu.memref_slice %arg2[%add3A_342, %dma_start3A_351] : memref<8192x4096xf32, #tpu.memory_space<hbm>> -> memref<8x4096xf32, #tpu.memory_space<hbm>>
      tpu.enqueue_dma source(%dma_start3A_352 : memref<8x4096xf32, #tpu.memory_space<hbm>>) target(%dma_start3A_350 : memref<8x4096xf32, #tpu.memory_space<vmem>>) target_semaphore(%arg11 : memref<!tpu.dma_semaphore, #tpu.memory_space<semaphore_mem>>)
      %add3A_353 = arith.constant 1 : i32
      %add3A_354 = arith.addi %mul3A_292, %add3A_353 : i32
      %mul3A_355 = arith.constant 8 : i32
      %mul3A_356 = arith.muli %add3A_354, %mul3A_355 : i32
      %add3A_357 = arith.addi %mul3A_2, %mul3A_356 : i32
      %dma_wait3A_358 = arith.constant 8 : i32
      %dma_wait3A_359 = arith.constant 0 : i32
      %dma_wait3A_360 = tpu.memref_slice %arg6[%dma_wait3A_358, %dma_wait3A_359] : memref<24x4096xf32, #tpu.memory_space<vmem>> -> memref<8x4096xf32, #tpu.memory_space<vmem>>
      %dma_wait3A_361 = arith.constant 0 : i32
      %dma_wait3A_362 = tpu.memref_slice %arg2[%add3A_357, %dma_wait3A_361] : memref<8192x4096xf32, #tpu.memory_space<hbm>> -> memref<8x4096xf32, #tpu.memory_space<hbm>>
      %dma_wait3A_363 = arith.constant 8 : i32
      %dma_wait3A_364 = arith.constant 0 : i32
      %dma_wait3A_365 = tpu.memref_slice %arg6[%dma_wait3A_363, %dma_wait3A_364] : memref<24x4096xf32, #tpu.memory_space<vmem>> -> memref<8x4096xf32, #tpu.memory_space<vmem>>
      %dma_wait3A_366 = arith.constant 0 : i32
      %dma_wait3A_367 = tpu.memref_slice %arg2[%add3A_357, %dma_wait3A_366] : memref<8192x4096xf32, #tpu.memory_space<hbm>> -> memref<8x4096xf32, #tpu.memory_space<hbm>>
      tpu.wait_dma2 semaphore(%arg10 : memref<!tpu.dma_semaphore, #tpu.memory_space<semaphore_mem>>) src(%dma_wait3A_367 : memref<8x4096xf32, #tpu.memory_space<hbm>>) dst(%dma_wait3A_365 : memref<8x4096xf32, #tpu.memory_space<vmem>>)
      %mul3A_368 = arith.constant 8 : i32
      %mul3A_369 = arith.muli %add3A_354, %mul3A_368 : i32
      %add3A_370 = arith.addi %mul3A_2, %mul3A_369 : i32
      %dma_start3A_371 = arith.constant 8 : i32
      %dma_start3A_372 = arith.constant 0 : i32
      %dma_start3A_373 = tpu.memref_slice %arg6[%dma_start3A_371, %dma_start3A_372] : memref<24x4096xf32, #tpu.memory_space<vmem>> -> memref<8x4096xf32, #tpu.memory_space<vmem>>
      %dma_start3A_374 = arith.constant 0 : i32
      %dma_start3A_375 = tpu.memref_slice %arg5[%add3A_370, %dma_start3A_374] : memref<8192x4096xf32, #tpu.memory_space<hbm>> -> memref<8x4096xf32, #tpu.memory_space<hbm>>
      %dma_start3A_376 = arith.constant 0 : i32
      %dma_start3A_377 = tpu.memref_slice %arg5[%add3A_370, %dma_start3A_376] : memref<8192x4096xf32, #tpu.memory_space<hbm>> -> memref<8x4096xf32, #tpu.memory_space<hbm>>
      %dma_start3A_378 = arith.constant 8 : i32
      %dma_start3A_379 = arith.constant 0 : i32
      %dma_start3A_380 = tpu.memref_slice %arg6[%dma_start3A_378, %dma_start3A_379] : memref<24x4096xf32, #tpu.memory_space<vmem>> -> memref<8x4096xf32, #tpu.memory_space<vmem>>
      tpu.enqueue_dma source(%dma_start3A_380 : memref<8x4096xf32, #tpu.memory_space<vmem>>) target(%dma_start3A_377 : memref<8x4096xf32, #tpu.memory_space<hbm>>) target_semaphore(%arg13 : memref<!tpu.dma_semaphore, #tpu.memory_space<semaphore_mem>>)
      %add3A_381 = arith.constant 2 : i32
      %add3A_382 = arith.addi %add3A_354, %add3A_381 : i32
      %sub3A_383 = arith.constant 3 : i32
      %sub3A_384 = arith.subi %add3A_382, %sub3A_383 : i32
      %mul3A_385 = arith.constant 8 : i32
      %mul3A_386 = arith.muli %sub3A_384, %mul3A_385 : i32
      %add3A_387 = arith.addi %mul3A_2, %mul3A_386 : i32
      %dma_wait3A_388 = arith.constant 0 : i32
      %dma_wait3A_389 = arith.constant 0 : i32
      %dma_wait3A_390 = tpu.memref_slice %arg6[%dma_wait3A_388, %dma_wait3A_389] : memref<24x4096xf32, #tpu.memory_space<vmem>> -> memref<8x4096xf32, #tpu.memory_space<vmem>>
      %dma_wait3A_391 = arith.constant 0 : i32
      %dma_wait3A_392 = tpu.memref_slice %arg5[%add3A_387, %dma_wait3A_391] : memref<8192x4096xf32, #tpu.memory_space<hbm>> -> memref<8x4096xf32, #tpu.memory_space<hbm>>
      %dma_wait3A_393 = arith.constant 0 : i32
      %dma_wait3A_394 = tpu.memref_slice %arg5[%add3A_387, %dma_wait3A_393] : memref<8192x4096xf32, #tpu.memory_space<hbm>> -> memref<8x4096xf32, #tpu.memory_space<hbm>>
      %dma_wait3A_395 = arith.constant 0 : i32
      %dma_wait3A_396 = arith.constant 0 : i32
      %dma_wait3A_397 = tpu.memref_slice %arg6[%dma_wait3A_395, %dma_wait3A_396] : memref<24x4096xf32, #tpu.memory_space<vmem>> -> memref<8x4096xf32, #tpu.memory_space<vmem>>
      tpu.wait_dma2 semaphore(%arg12 : memref<!tpu.dma_semaphore, #tpu.memory_space<semaphore_mem>>) src(%dma_wait3A_397 : memref<8x4096xf32, #tpu.memory_space<vmem>>) dst(%dma_wait3A_394 : memref<8x4096xf32, #tpu.memory_space<hbm>>)
      %add3A_398 = arith.constant 2 : i32
      %add3A_399 = arith.addi %add3A_354, %add3A_398 : i32
      %mul3A_400 = arith.constant 8 : i32
      %mul3A_401 = arith.muli %add3A_399, %mul3A_400 : i32
      %add3A_402 = arith.addi %mul3A_2, %mul3A_401 : i32
      %dma_start3A_403 = arith.constant 0 : i32
      %dma_start3A_404 = arith.constant 0 : i32
      %dma_start3A_405 = tpu.memref_slice %arg6[%dma_start3A_403, %dma_start3A_404] : memref<24x4096xf32, #tpu.memory_space<vmem>> -> memref<8x4096xf32, #tpu.memory_space<vmem>>
      %dma_start3A_406 = arith.constant 0 : i32
      %dma_start3A_407 = tpu.memref_slice %arg2[%add3A_402, %dma_start3A_406] : memref<8192x4096xf32, #tpu.memory_space<hbm>> -> memref<8x4096xf32, #tpu.memory_space<hbm>>
      %dma_start3A_408 = arith.constant 0 : i32
      %dma_start3A_409 = arith.constant 0 : i32
      %dma_start3A_410 = tpu.memref_slice %arg6[%dma_start3A_408, %dma_start3A_409] : memref<24x4096xf32, #tpu.memory_space<vmem>> -> memref<8x4096xf32, #tpu.memory_space<vmem>>
      %dma_start3A_411 = arith.constant 0 : i32
      %dma_start3A_412 = tpu.memref_slice %arg2[%add3A_402, %dma_start3A_411] : memref<8192x4096xf32, #tpu.memory_space<hbm>> -> memref<8x4096xf32, #tpu.memory_space<hbm>>
      tpu.enqueue_dma source(%dma_start3A_412 : memref<8x4096xf32, #tpu.memory_space<hbm>>) target(%dma_start3A_410 : memref<8x4096xf32, #tpu.memory_space<vmem>>) target_semaphore(%arg9 : memref<!tpu.dma_semaphore, #tpu.memory_space<semaphore_mem>>)
      %add3A_413 = arith.constant 2 : i32
      %add3A_414 = arith.addi %mul3A_292, %add3A_413 : i32
      %mul3A_415 = arith.constant 8 : i32
      %mul3A_416 = arith.muli %add3A_414, %mul3A_415 : i32
      %add3A_417 = arith.addi %mul3A_2, %mul3A_416 : i32
      %dma_wait3A_418 = arith.constant 16 : i32
      %dma_wait3A_419 = arith.constant 0 : i32
      %dma_wait3A_420 = tpu.memref_slice %arg6[%dma_wait3A_418, %dma_wait3A_419] : memref<24x4096xf32, #tpu.memory_space<vmem>> -> memref<8x4096xf32, #tpu.memory_space<vmem>>
      %dma_wait3A_421 = arith.constant 0 : i32
      %dma_wait3A_422 = tpu.memref_slice %arg2[%add3A_417, %dma_wait3A_421] : memref<8192x4096xf32, #tpu.memory_space<hbm>> -> memref<8x4096xf32, #tpu.memory_space<hbm>>
      %dma_wait3A_423 = arith.constant 16 : i32
      %dma_wait3A_424 = arith.constant 0 : i32
      %dma_wait3A_425 = tpu.memref_slice %arg6[%dma_wait3A_423, %dma_wait3A_424] : memref<24x4096xf32, #tpu.memory_space<vmem>> -> memref<8x4096xf32, #tpu.memory_space<vmem>>
      %dma_wait3A_426 = arith.constant 0 : i32
      %dma_wait3A_427 = tpu.memref_slice %arg2[%add3A_417, %dma_wait3A_426] : memref<8192x4096xf32, #tpu.memory_space<hbm>> -> memref<8x4096xf32, #tpu.memory_space<hbm>>
      tpu.wait_dma2 semaphore(%arg11 : memref<!tpu.dma_semaphore, #tpu.memory_space<semaphore_mem>>) src(%dma_wait3A_427 : memref<8x4096xf32, #tpu.memory_space<hbm>>) dst(%dma_wait3A_425 : memref<8x4096xf32, #tpu.memory_space<vmem>>)
      %mul3A_428 = arith.constant 8 : i32
      %mul3A_429 = arith.muli %add3A_414, %mul3A_428 : i32
      %add3A_430 = arith.addi %mul3A_2, %mul3A_429 : i32
      %dma_start3A_431 = arith.constant 16 : i32
      %dma_start3A_432 = arith.constant 0 : i32
      %dma_start3A_433 = tpu.memref_slice %arg6[%dma_start3A_431, %dma_start3A_432] : memref<24x4096xf32, #tpu.memory_space<vmem>> -> memref<8x4096xf32, #tpu.memory_space<vmem>>
      %dma_start3A_434 = arith.constant 0 : i32
      %dma_start3A_435 = tpu.memref_slice %arg5[%add3A_430, %dma_start3A_434] : memref<8192x4096xf32, #tpu.memory_space<hbm>> -> memref<8x4096xf32, #tpu.memory_space<hbm>>
      %dma_start3A_436 = arith.constant 0 : i32
      %dma_start3A_437 = tpu.memref_slice %arg5[%add3A_430, %dma_start3A_436] : memref<8192x4096xf32, #tpu.memory_space<hbm>> -> memref<8x4096xf32, #tpu.memory_space<hbm>>
      %dma_start3A_438 = arith.constant 16 : i32
      %dma_start3A_439 = arith.constant 0 : i32
      %dma_start3A_440 = tpu.memref_slice %arg6[%dma_start3A_438, %dma_start3A_439] : memref<24x4096xf32, #tpu.memory_space<vmem>> -> memref<8x4096xf32, #tpu.memory_space<vmem>>
      tpu.enqueue_dma source(%dma_start3A_440 : memref<8x4096xf32, #tpu.memory_space<vmem>>) target(%dma_start3A_437 : memref<8x4096xf32, #tpu.memory_space<hbm>>) target_semaphore(%arg14 : memref<!tpu.dma_semaphore, #tpu.memory_space<semaphore_mem>>)
      %add3A_441 = arith.constant 2 : i32
      %add3A_442 = arith.addi %add3A_414, %add3A_441 : i32
      %sub3A_443 = arith.constant 3 : i32
      %sub3A_444 = arith.subi %add3A_442, %sub3A_443 : i32
      %mul3A_445 = arith.constant 8 : i32
      %mul3A_446 = arith.muli %sub3A_444, %mul3A_445 : i32
      %add3A_447 = arith.addi %mul3A_2, %mul3A_446 : i32
      %dma_wait3A_448 = arith.constant 8 : i32
      %dma_wait3A_449 = arith.constant 0 : i32
      %dma_wait3A_450 = tpu.memref_slice %arg6[%dma_wait3A_448, %dma_wait3A_449] : memref<24x4096xf32, #tpu.memory_space<vmem>> -> memref<8x4096xf32, #tpu.memory_space<vmem>>
      %dma_wait3A_451 = arith.constant 0 : i32
      %dma_wait3A_452 = tpu.memref_slice %arg5[%add3A_447, %dma_wait3A_451] : memref<8192x4096xf32, #tpu.memory_space<hbm>> -> memref<8x4096xf32, #tpu.memory_space<hbm>>
      %dma_wait3A_453 = arith.constant 0 : i32
      %dma_wait3A_454 = tpu.memref_slice %arg5[%add3A_447, %dma_wait3A_453] : memref<8192x4096xf32, #tpu.memory_space<hbm>> -> memref<8x4096xf32, #tpu.memory_space<hbm>>
      %dma_wait3A_455 = arith.constant 8 : i32
      %dma_wait3A_456 = arith.constant 0 : i32
      %dma_wait3A_457 = tpu.memref_slice %arg6[%dma_wait3A_455, %dma_wait3A_456] : memref<24x4096xf32, #tpu.memory_space<vmem>> -> memref<8x4096xf32, #tpu.memory_space<vmem>>
      tpu.wait_dma2 semaphore(%arg13 : memref<!tpu.dma_semaphore, #tpu.memory_space<semaphore_mem>>) src(%dma_wait3A_457 : memref<8x4096xf32, #tpu.memory_space<vmem>>) dst(%dma_wait3A_454 : memref<8x4096xf32, #tpu.memory_space<hbm>>)
      %add3A_458 = arith.constant 2 : i32
      %add3A_459 = arith.addi %add3A_414, %add3A_458 : i32
      %mul3A_460 = arith.constant 8 : i32
      %mul3A_461 = arith.muli %add3A_459, %mul3A_460 : i32
      %add3A_462 = arith.addi %mul3A_2, %mul3A_461 : i32
      %dma_start3A_463 = arith.constant 8 : i32
      %dma_start3A_464 = arith.constant 0 : i32
      %dma_start3A_465 = tpu.memref_slice %arg6[%dma_start3A_463, %dma_start3A_464] : memref<24x4096xf32, #tpu.memory_space<vmem>> -> memref<8x4096xf32, #tpu.memory_space<vmem>>
      %dma_start3A_466 = arith.constant 0 : i32
      %dma_start3A_467 = tpu.memref_slice %arg2[%add3A_462, %dma_start3A_466] : memref<8192x4096xf32, #tpu.memory_space<hbm>> -> memref<8x4096xf32, #tpu.memory_space<hbm>>
      %dma_start3A_468 = arith.constant 8 : i32
      %dma_start3A_469 = arith.constant 0 : i32
      %dma_start3A_470 = tpu.memref_slice %arg6[%dma_start3A_468, %dma_start3A_469] : memref<24x4096xf32, #tpu.memory_space<vmem>> -> memref<8x4096xf32, #tpu.memory_space<vmem>>
      %dma_start3A_471 = arith.constant 0 : i32
      %dma_start3A_472 = tpu.memref_slice %arg2[%add3A_462, %dma_start3A_471] : memref<8192x4096xf32, #tpu.memory_space<hbm>> -> memref<8x4096xf32, #tpu.memory_space<hbm>>
      tpu.enqueue_dma source(%dma_start3A_472 : memref<8x4096xf32, #tpu.memory_space<hbm>>) target(%dma_start3A_470 : memref<8x4096xf32, #tpu.memory_space<vmem>>) target_semaphore(%arg10 : memref<!tpu.dma_semaphore, #tpu.memory_space<semaphore_mem>>)
    }
    %scan3A_197 = arith.constant 9 : i32
    %add3A_198 = arith.constant 240 : i32
    %add3A_199 = arith.addi %mul3A_2, %add3A_198 : i32
    %dma_wait3A_200 = arith.constant 0 : i32
    %dma_wait3A_201 = arith.constant 0 : i32
    %dma_wait3A_202 = tpu.memref_slice %arg6[%dma_wait3A_200, %dma_wait3A_201] : memref<24x4096xf32, #tpu.memory_space<vmem>> -> memref<8x4096xf32, #tpu.memory_space<vmem>>
    %dma_wait3A_203 = arith.constant 0 : i32
    %dma_wait3A_204 = tpu.memref_slice %arg2[%add3A_199, %dma_wait3A_203] : memref<8192x4096xf32, #tpu.memory_space<hbm>> -> memref<8x4096xf32, #tpu.memory_space<hbm>>
    %dma_wait3A_205 = arith.constant 0 : i32
    %dma_wait3A_206 = arith.constant 0 : i32
    %dma_wait3A_207 = tpu.memref_slice %arg6[%dma_wait3A_205, %dma_wait3A_206] : memref<24x4096xf32, #tpu.memory_space<vmem>> -> memref<8x4096xf32, #tpu.memory_space<vmem>>
    %dma_wait3A_208 = arith.constant 0 : i32
    %dma_wait3A_209 = tpu.memref_slice %arg2[%add3A_199, %dma_wait3A_208] : memref<8192x4096xf32, #tpu.memory_space<hbm>> -> memref<8x4096xf32, #tpu.memory_space<hbm>>
    tpu.wait_dma2 semaphore(%arg9 : memref<!tpu.dma_semaphore, #tpu.memory_space<semaphore_mem>>) src(%dma_wait3A_209 : memref<8x4096xf32, #tpu.memory_space<hbm>>) dst(%dma_wait3A_207 : memref<8x4096xf32, #tpu.memory_space<vmem>>)
    %add3A_210 = arith.constant 240 : i32
    %add3A_211 = arith.addi %mul3A_2, %add3A_210 : i32
    %dma_start3A_212 = arith.constant 0 : i32
    %dma_start3A_213 = arith.constant 0 : i32
    %dma_start3A_214 = tpu.memref_slice %arg6[%dma_start3A_212, %dma_start3A_213] : memref<24x4096xf32, #tpu.memory_space<vmem>> -> memref<8x4096xf32, #tpu.memory_space<vmem>>
    %dma_start3A_215 = arith.constant 0 : i32
    %dma_start3A_216 = tpu.memref_slice %arg5[%add3A_211, %dma_start3A_215] : memref<8192x4096xf32, #tpu.memory_space<hbm>> -> memref<8x4096xf32, #tpu.memory_space<hbm>>
    %dma_start3A_217 = arith.constant 0 : i32
    %dma_start3A_218 = tpu.memref_slice %arg5[%add3A_211, %dma_start3A_217] : memref<8192x4096xf32, #tpu.memory_space<hbm>> -> memref<8x4096xf32, #tpu.memory_space<hbm>>
    %dma_start3A_219 = arith.constant 0 : i32
    %dma_start3A_220 = arith.constant 0 : i32
    %dma_start3A_221 = tpu.memref_slice %arg6[%dma_start3A_219, %dma_start3A_220] : memref<24x4096xf32, #tpu.memory_space<vmem>> -> memref<8x4096xf32, #tpu.memory_space<vmem>>
    tpu.enqueue_dma source(%dma_start3A_221 : memref<8x4096xf32, #tpu.memory_space<vmem>>) target(%dma_start3A_218 : memref<8x4096xf32, #tpu.memory_space<hbm>>) target_semaphore(%arg12 : memref<!tpu.dma_semaphore, #tpu.memory_space<semaphore_mem>>)
    %add3A_222 = arith.constant 248 : i32
    %add3A_223 = arith.addi %mul3A_2, %add3A_222 : i32
    %dma_wait3A_224 = arith.constant 8 : i32
    %dma_wait3A_225 = arith.constant 0 : i32
    %dma_wait3A_226 = tpu.memref_slice %arg6[%dma_wait3A_224, %dma_wait3A_225] : memref<24x4096xf32, #tpu.memory_space<vmem>> -> memref<8x4096xf32, #tpu.memory_space<vmem>>
    %dma_wait3A_227 = arith.constant 0 : i32
    %dma_wait3A_228 = tpu.memref_slice %arg2[%add3A_223, %dma_wait3A_227] : memref<8192x4096xf32, #tpu.memory_space<hbm>> -> memref<8x4096xf32, #tpu.memory_space<hbm>>
    %dma_wait3A_229 = arith.constant 8 : i32
    %dma_wait3A_230 = arith.constant 0 : i32
    %dma_wait3A_231 = tpu.memref_slice %arg6[%dma_wait3A_229, %dma_wait3A_230] : memref<24x4096xf32, #tpu.memory_space<vmem>> -> memref<8x4096xf32, #tpu.memory_space<vmem>>
    %dma_wait3A_232 = arith.constant 0 : i32
    %dma_wait3A_233 = tpu.memref_slice %arg2[%add3A_223, %dma_wait3A_232] : memref<8192x4096xf32, #tpu.memory_space<hbm>> -> memref<8x4096xf32, #tpu.memory_space<hbm>>
    tpu.wait_dma2 semaphore(%arg10 : memref<!tpu.dma_semaphore, #tpu.memory_space<semaphore_mem>>) src(%dma_wait3A_233 : memref<8x4096xf32, #tpu.memory_space<hbm>>) dst(%dma_wait3A_231 : memref<8x4096xf32, #tpu.memory_space<vmem>>)
    %add3A_234 = arith.constant 248 : i32
    %add3A_235 = arith.addi %mul3A_2, %add3A_234 : i32
    %dma_start3A_236 = arith.constant 8 : i32
    %dma_start3A_237 = arith.constant 0 : i32
    %dma_start3A_238 = tpu.memref_slice %arg6[%dma_start3A_236, %dma_start3A_237] : memref<24x4096xf32, #tpu.memory_space<vmem>> -> memref<8x4096xf32, #tpu.memory_space<vmem>>
    %dma_start3A_239 = arith.constant 0 : i32
    %dma_start3A_240 = tpu.memref_slice %arg5[%add3A_235, %dma_start3A_239] : memref<8192x4096xf32, #tpu.memory_space<hbm>> -> memref<8x4096xf32, #tpu.memory_space<hbm>>
    %dma_start3A_241 = arith.constant 0 : i32
    %dma_start3A_242 = tpu.memref_slice %arg5[%add3A_235, %dma_start3A_241] : memref<8192x4096xf32, #tpu.memory_space<hbm>> -> memref<8x4096xf32, #tpu.memory_space<hbm>>
    %dma_start3A_243 = arith.constant 8 : i32
    %dma_start3A_244 = arith.constant 0 : i32
    %dma_start3A_245 = tpu.memref_slice %arg6[%dma_start3A_243, %dma_start3A_244] : memref<24x4096xf32, #tpu.memory_space<vmem>> -> memref<8x4096xf32, #tpu.memory_space<vmem>>
    tpu.enqueue_dma source(%dma_start3A_245 : memref<8x4096xf32, #tpu.memory_space<vmem>>) target(%dma_start3A_242 : memref<8x4096xf32, #tpu.memory_space<hbm>>) target_semaphore(%arg13 : memref<!tpu.dma_semaphore, #tpu.memory_space<semaphore_mem>>)
    %add3A_246 = arith.constant 232 : i32
    %add3A_247 = arith.addi %mul3A_2, %add3A_246 : i32
    %dma_wait3A_248 = arith.constant 16 : i32
    %dma_wait3A_249 = arith.constant 0 : i32
    %dma_wait3A_250 = tpu.memref_slice %arg6[%dma_wait3A_248, %dma_wait3A_249] : memref<24x4096xf32, #tpu.memory_space<vmem>> -> memref<8x4096xf32, #tpu.memory_space<vmem>>
    %dma_wait3A_251 = arith.constant 0 : i32
    %dma_wait3A_252 = tpu.memref_slice %arg5[%add3A_247, %dma_wait3A_251] : memref<8192x4096xf32, #tpu.memory_space<hbm>> -> memref<8x4096xf32, #tpu.memory_space<hbm>>
    %dma_wait3A_253 = arith.constant 0 : i32
    %dma_wait3A_254 = tpu.memref_slice %arg5[%add3A_247, %dma_wait3A_253] : memref<8192x4096xf32, #tpu.memory_space<hbm>> -> memref<8x4096xf32, #tpu.memory_space<hbm>>
    %dma_wait3A_255 = arith.constant 16 : i32
    %dma_wait3A_256 = arith.constant 0 : i32
    %dma_wait3A_257 = tpu.memref_slice %arg6[%dma_wait3A_255, %dma_wait3A_256] : memref<24x4096xf32, #tpu.memory_space<vmem>> -> memref<8x4096xf32, #tpu.memory_space<vmem>>
    tpu.wait_dma2 semaphore(%arg14 : memref<!tpu.dma_semaphore, #tpu.memory_space<semaphore_mem>>) src(%dma_wait3A_257 : memref<8x4096xf32, #tpu.memory_space<vmem>>) dst(%dma_wait3A_254 : memref<8x4096xf32, #tpu.memory_space<hbm>>)
    %add3A_258 = arith.constant 240 : i32
    %add3A_259 = arith.addi %mul3A_2, %add3A_258 : i32
    %dma_wait3A_260 = arith.constant 0 : i32
    %dma_wait3A_261 = arith.constant 0 : i32
    %dma_wait3A_262 = tpu.memref_slice %arg6[%dma_wait3A_260, %dma_wait3A_261] : memref<24x4096xf32, #tpu.memory_space<vmem>> -> memref<8x4096xf32, #tpu.memory_space<vmem>>
    %dma_wait3A_263 = arith.constant 0 : i32
    %dma_wait3A_264 = tpu.memref_slice %arg5[%add3A_259, %dma_wait3A_263] : memref<8192x4096xf32, #tpu.memory_space<hbm>> -> memref<8x4096xf32, #tpu.memory_space<hbm>>
    %dma_wait3A_265 = arith.constant 0 : i32
    %dma_wait3A_266 = tpu.memref_slice %arg5[%add3A_259, %dma_wait3A_265] : memref<8192x4096xf32, #tpu.memory_space<hbm>> -> memref<8x4096xf32, #tpu.memory_space<hbm>>
    %dma_wait3A_267 = arith.constant 0 : i32
    %dma_wait3A_268 = arith.constant 0 : i32
    %dma_wait3A_269 = tpu.memref_slice %arg6[%dma_wait3A_267, %dma_wait3A_268] : memref<24x4096xf32, #tpu.memory_space<vmem>> -> memref<8x4096xf32, #tpu.memory_space<vmem>>
    tpu.wait_dma2 semaphore(%arg12 : memref<!tpu.dma_semaphore, #tpu.memory_space<semaphore_mem>>) src(%dma_wait3A_269 : memref<8x4096xf32, #tpu.memory_space<vmem>>) dst(%dma_wait3A_266 : memref<8x4096xf32, #tpu.memory_space<hbm>>)
    %add3A_270 = arith.constant 248 : i32
    %add3A_271 = arith.addi %mul3A_2, %add3A_270 : i32
    %dma_wait3A_272 = arith.constant 8 : i32
    %dma_wait3A_273 = arith.constant 0 : i32
    %dma_wait3A_274 = tpu.memref_slice %arg6[%dma_wait3A_272, %dma_wait3A_273] : memref<24x4096xf32, #tpu.memory_space<vmem>> -> memref<8x4096xf32, #tpu.memory_space<vmem>>
    %dma_wait3A_275 = arith.constant 0 : i32
    %dma_wait3A_276 = tpu.memref_slice %arg5[%add3A_271, %dma_wait3A_275] : memref<8192x4096xf32, #tpu.memory_space<hbm>> -> memref<8x4096xf32, #tpu.memory_space<hbm>>
    %dma_wait3A_277 = arith.constant 0 : i32
    %dma_wait3A_278 = tpu.memref_slice %arg5[%add3A_271, %dma_wait3A_277] : memref<8192x4096xf32, #tpu.memory_space<hbm>> -> memref<8x4096xf32, #tpu.memory_space<hbm>>
    %dma_wait3A_279 = arith.constant 8 : i32
    %dma_wait3A_280 = arith.constant 0 : i32
    %dma_wait3A_281 = tpu.memref_slice %arg6[%dma_wait3A_279, %dma_wait3A_280] : memref<24x4096xf32, #tpu.memory_space<vmem>> -> memref<8x4096xf32, #tpu.memory_space<vmem>>
    tpu.wait_dma2 semaphore(%arg13 : memref<!tpu.dma_semaphore, #tpu.memory_space<semaphore_mem>>) src(%dma_wait3A_281 : memref<8x4096xf32, #tpu.memory_space<vmem>>) dst(%dma_wait3A_278 : memref<8x4096xf32, #tpu.memory_space<hbm>>)
    %convert_element_type3A = arith.extui %lt3A_13 : i1 to i32
    %cond3A = arith.constant 0 : i32
    %cond3A_282 = arith.cmpi ne, %convert_element_type3A, %cond3A : i32
    scf.if %cond3A_282 {
      %dma_start3A_286 = arith.constant 0 : i32
      %dma_start3A_287 = arith.constant 0 : i32
      %dma_start3A_288 = tpu.memref_slice %arg6[%dma_start3A_286, %dma_start3A_287] : memref<24x4096xf32, #tpu.memory_space<vmem>> -> memref<16x4096xf32, #tpu.memory_space<vmem>>
      %dma_start3A_289 = arith.constant 0 : i32
      %dma_start3A_290 = tpu.memref_slice %arg4[%mul3A_39, %dma_start3A_289] : memref<64x4096xf32, #tpu.memory_space<hbm>> -> memref<16x4096xf32, #tpu.memory_space<hbm>>
      %dma_start3A_291 = arith.constant 0 : i32
      %dma_start3A_292 = arith.constant 0 : i32
      %dma_start3A_293 = tpu.memref_slice %arg6[%dma_start3A_291, %dma_start3A_292] : memref<24x4096xf32, #tpu.memory_space<vmem>> -> memref<16x4096xf32, #tpu.memory_space<vmem>>
      %dma_start3A_294 = arith.constant 0 : i32
      %dma_start3A_295 = tpu.memref_slice %arg4[%mul3A_39, %dma_start3A_294] : memref<64x4096xf32, #tpu.memory_space<hbm>> -> memref<16x4096xf32, #tpu.memory_space<hbm>>
      tpu.enqueue_dma source(%dma_start3A_295 : memref<16x4096xf32, #tpu.memory_space<hbm>>) target(%dma_start3A_293 : memref<16x4096xf32, #tpu.memory_space<vmem>>) target_semaphore(%arg15 : memref<!tpu.dma_semaphore, #tpu.memory_space<semaphore_mem>>)
    } else {
    }
    %barrier3A = arith.constant 0 : index
    tpu.barrier barrier_id(%barrier3A)
    %convert_element_type3A_283 = arith.extui %lt3A_13 : i1 to i32
    %cond3A_284 = arith.constant 0 : i32
    %cond3A_285 = arith.cmpi ne, %convert_element_type3A_283, %cond3A_284 : i32
    scf.if %cond3A_285 {
      %dma_wait3A_286 = arith.constant 0 : i32
      %dma_wait3A_287 = arith.constant 0 : i32
      %dma_wait3A_288 = tpu.memref_slice %arg6[%dma_wait3A_286, %dma_wait3A_287] : memref<24x4096xf32, #tpu.memory_space<vmem>> -> memref<16x4096xf32, #tpu.memory_space<vmem>>
      %dma_wait3A_289 = arith.constant 0 : i32
      %dma_wait3A_290 = tpu.memref_slice %arg4[%mul3A_39, %dma_wait3A_289] : memref<64x4096xf32, #tpu.memory_space<hbm>> -> memref<16x4096xf32, #tpu.memory_space<hbm>>
      %dma_wait3A_291 = arith.constant 0 : i32
      %dma_wait3A_292 = arith.constant 0 : i32
      %dma_wait3A_293 = tpu.memref_slice %arg6[%dma_wait3A_291, %dma_wait3A_292] : memref<24x4096xf32, #tpu.memory_space<vmem>> -> memref<16x4096xf32, #tpu.memory_space<vmem>>
      %dma_wait3A_294 = arith.constant 0 : i32
      %dma_wait3A_295 = tpu.memref_slice %arg4[%mul3A_39, %dma_wait3A_294] : memref<64x4096xf32, #tpu.memory_space<hbm>> -> memref<16x4096xf32, #tpu.memory_space<hbm>>
      tpu.wait_dma2 semaphore(%arg15 : memref<!tpu.dma_semaphore, #tpu.memory_space<semaphore_mem>>) src(%dma_wait3A_295 : memref<16x4096xf32, #tpu.memory_space<hbm>>) dst(%dma_wait3A_293 : memref<16x4096xf32, #tpu.memory_space<vmem>>)
      %iota3A = tpu.iota {dimensions = array<i32: 0>} : vector<16xi32>
      %get3A = arith.constant 0 : index
      %get3A_296 = tpu.vector_load %arg7[%get3A] {strides = array<i32>} : memref<16xi32, #tpu.memory_space<vmem>>, vector<16xi32>,
      %get3A_297 = vector.shape_cast %get3A_296 : vector<16xi32> to vector<16xi32>
      %mul3A_298 = arith.constant 2048 : i32
      %mul3A_299 = arith.muli %add3A_37, %mul3A_298 : i32
      %add3A_300 = vector.broadcast %mul3A_299 : i32 to vector<16xi32>
      %add3A_301 = arith.addi %get3A_297, %add3A_300 : vector<16xi32>
      %mul3A_302 = arith.constant 16 : i32
      %mul3A_303 = arith.muli %select_n3A_11, %mul3A_302 : i32
      %add3A_304 = vector.broadcast %mul3A_303 : i32 to vector<16xi32>
      %add3A_305 = arith.addi %add3A_301, %add3A_304 : vector<16xi32>
      %add3A_306 = arith.addi %add3A_305, %iota3A : vector<16xi32>
      %swap3A = arith.constant 0 : index
      %swap3A_307 = tpu.vector_load %arg8[%swap3A] {strides = array<i32>} : memref<16xi32, #tpu.memory_space<vmem>>, vector<16xi32>,
      %swap3A_308 = vector.shape_cast %swap3A_307 : vector<16xi32> to vector<16xi32>
      %swap3A_309 = vector.shape_cast %add3A_306 : vector<16xi32> to vector<16xi32>
      tpu.vector_store %arg8[%swap3A], %swap3A_309 {strides = array<i32>} : memref<16xi32, #tpu.memory_space<vmem>>, vector<16xi32>,
      %dma_start3A_310 = arith.constant 0 : i32
      %dma_start3A_311 = arith.constant 0 : i32
      %dma_start3A_312 = tpu.memref_slice %arg6[%dma_start3A_310, %dma_start3A_311] : memref<24x4096xf32, #tpu.memory_space<vmem>> -> memref<16x4096xf32, #tpu.memory_space<vmem>>
      %dma_start3A_313 = arith.constant 0 : i32
      %dma_start3A_314 = arith.constant 0 : i32
      %dma_start3A_315 = tpu.memref_slice %arg5[%dma_start3A_313, %dma_start3A_314] : memref<8192x4096xf32, #tpu.memory_space<hbm>> -> memref<8192x4096xf32, #tpu.memory_space<hbm>>
      tpu.enqueue_indirect_dma source(%dma_start3A_312 : memref<16x4096xf32, #tpu.memory_space<vmem>>) target(%dma_start3A_315 : memref<8192x4096xf32, #tpu.memory_space<hbm>>) offsets(%arg8 : memref<16xi32, #tpu.memory_space<vmem>>) semaphore(%arg15 : memref<!tpu.dma_semaphore, #tpu.memory_space<semaphore_mem>>)
      %dma_wait3A_316 = arith.constant 0 : i32
      %dma_wait3A_317 = arith.constant 0 : i32
      %dma_wait3A_318 = tpu.memref_slice %arg6[%dma_wait3A_316, %dma_wait3A_317] : memref<24x4096xf32, #tpu.memory_space<vmem>> -> memref<16x4096xf32, #tpu.memory_space<vmem>>
      %dma_wait3A_319 = arith.constant 0 : i32
      %dma_wait3A_320 = arith.constant 0 : i32
      %dma_wait3A_321 = tpu.memref_slice %arg5[%dma_wait3A_319, %dma_wait3A_320] : memref<8192x4096xf32, #tpu.memory_space<hbm>> -> memref<8192x4096xf32, #tpu.memory_space<hbm>>
      tpu.wait_indirect_dma semaphore(%arg15 : memref<!tpu.dma_semaphore, #tpu.memory_space<semaphore_mem>>) src(%dma_wait3A_318 : memref<16x4096xf32, #tpu.memory_space<vmem>>) dst(%dma_wait3A_321 : memref<8192x4096xf32, #tpu.memory_space<hbm>>)
    } else {
    }
    return
  }
}

</mosaic_0001>

<sc_bundles>
// kernel: kernel.3.cloned.1.call-start
scs
__scs_entry_jumppad:
0x0: {  	(pc) =	sbr.rel $0x88, $3  }
0x1: {  	(tag) =	ssettag $0x0;
	lr =	simm.s32 $0x1  }
0x2: {  	[smem:$0x3F9E] =	sst lr;
	_ =	strace $0xD0000000  }
0x3: {  	_ = 	snop  }
0x4: {  	_ = 	snop  }
0x5: {  	_ = 	snop  }
0x6: {  	_ = 	snop  }
0x7: {  	_ = 	snop  }
__scs_overlays_trampoline_lowered:
0x8: {  	[smem:$0x3FAD] =	sst s0  }
0x9: {  	[smem:$0x3FAE] =	sst s1  }
0xa: {  	[smem:$0x3FAF] =	sst s2  }
0xb: {  	[smem:$0x3FB0] =	sst s3  }
0xc: {  	[smem:$0x3FB1] =	sst s4  }
0xd: {  	[smem:$0x3FB2] =	sst s5  }
0xe: {  	[smem:$0x3FB3] =	sst s6  }
0xf: {  	[smem:$0x3FB4] =	sst s7  }
0x10: {  	[smem:$0x3FB5] =	sst s8  }
0x11: {  	[smem:$0x3FB6] =	sst s9;
	s0 =	simm.s32 @!p0 $0x0  }
0x12: {  	s1 =	sld [smem:$0x3F9C];
	s0 =	simm.s32 @p0 $0x1  }
0x13: {  	[smem:$0x3FB7] =	sst s0;
	s0 =	simm.s32 @!p1 $0x0  }
0x14: {  	s2 =	sld [smem:$0x3F9B];
	s0 =	simm.s32 @p1 $0x1  }
0x15: {  	[smem:$0x3FB8] =	sst s0;
	s0 =	simm.s32 @!p2 $0x0  }
0x16: {  	s3 =	sld [smem:$0x3FDB];
	s0 =	simm.s32 @p2 $0x1  }
0x17: {  	s4 =	simm.s32 $0x1BF5;
	[smem:$0x3FBA] =	sst s0  }
0x18: {  	s0 =	sld [smem:$0x3F9D];
	_ =	swait.ge [sflag:s4], $0x0  }
0x19: {  	s7 =	sld [smem:$0x3F9E]  }
0x1a: {  	s8 =	sadd.s32 $0xFFFFE003, lr  }
0x1b: {  	s9 =	sadd.s32 $0xFFFFFEF7, lr;
	s5 =	simm.s32 $0xFFFFFFFF;
	p2 =	slt.u32 s8, $0xFFFFF086  }
0x1c: {  	p1 =	slt.u32 s9, $0xF7A;
	s5 =	simm.s32 @!p2 $0x0  }
0x1d: {  	s5 =	simm.s32 @p1 $0x1;
	p0 =	seq.s32 s7, s2  }
0x1e: {  	s7 =	smul.u32 @!p0 $0xF7A, s2;
	p2 =	seq.s32 @!p0 s5, $0x0  }
0x1f: {  	s9 =	smul.u32 $0xF7A, s1;
	s8 =	simm.s32 @!p0 $0x1BF5;
	p2 =	por !p2, p0  }
0x20: {  	[sflag:s8] =	ssyncset.s32 @!p0 $0xFFFFF086;
	s6 =	sadd.s32 @!p0 s3, s7;
	s7 =	simm.s32 @!p0 $0x108  }
0x21: {  	s3 =	sadd.s32 s3, s9;
	s6 =	sadd.s32 @!p0 $0x88, s6;
	s7 =	simm.s32 @p2 $0x1082  }
0x22: {  	[simem:s7], [sflag:s8] =	dma.local @!p0 [hbm:s6], $0xF7A  }
0x23: {  	s9 =	sor.u32 $0xD0000000, s2;
	s6 =	simm.s32 $0x108;
	_ =	swait.ge @!p0 [sflag:s8], $0x0  }
0x24: {  	s3 =	sadd.s32 $0x88, s3;
	s6 =	simm.s32 @!p1 $0x1082;
	[sflag:s4] =	ssyncset.s32 $0xFFFFF086  }
0x25: {  	[simem:s6], [sflag:s4] =	dma.local [hbm:s3], $0xF7A  }
0x26: {  	[smem:$0x3F9E] =	sst s1;
	(tag) =	ssettag s2;
	_ =	strace s9  }
0x27: {  	s1 =	sld [smem:$0x3FAE]  }
0x28: {  	s2 =	sld [smem:$0x3FAF]  }
0x29: {  	s4 =	sld [smem:$0x3FB1]  }
0x2a: {  	p0 =	seq.s32 s5, $0x0;
	s5 =	sld [smem:$0x3FB2]  }
0x2b: {  	s6 =	sld [smem:$0x3FB3]  }
0x2c: {  	s7 =	sld [smem:$0x3FB4]  }
0x2d: {  	s3 =	simm.s32 $0x108;
	s8 =	sld [smem:$0x3FB5]  }
0x2e: {  	s3 =	simm.s32 @!p0 $0x1082;
	s9 =	sld [smem:$0x3FB6]  }
0x2f: {  	lr =	sadd.s32 s0, s3;
	s0 =	sld [smem:$0x3FAD]  }
0x30: {  	s3 =	sld [smem:$0x3FB0]  }
0x31: {  	[smem:$0x3FB9] =	sst s10  }
0x32: {  	s10 =	sld [smem:$0x3FB7];
	_ =	sdelay $0x3  }
0x33: {  	p0 =	seq.s32 s10, $0x1;
	s10 =	sld [smem:$0x3FB9];
	_ =	sdelay $0x3  }
0x34: {  	[smem:$0x3FB9] =	sst s10  }
0x35: {  	s10 =	sld [smem:$0x3FB8];
	_ =	sdelay $0x3  }
0x36: {  	p1 =	seq.s32 s10, $0x1;
	s10 =	sld [smem:$0x3FB9];
	_ =	sdelay $0x3  }
0x37: {  	[smem:$0x3FB9] =	sst s10  }
0x38: {  	s10 =	sld [smem:$0x3FBA]  }
0x39: {  	_ = 	snop;
	(pc) =	sbr.ind lr, $3  }
0x3a: {  	_ = 	snop  }
0x3b: {  	_ = 	snop  }
0x3c: {  	p2 =	seq.s32 s10, $0x1;
	s10 =	sld [smem:$0x3FB9]  }
0x3d: {  	_ =	shalt  }
0x3e: {  	_ =	shalt  }
0x3f: {  	_ =	shalt  }
0x40: {  	_ =	shalt  }
0x41: {  	_ =	shalt  }
0x42: {  	_ =	shalt  }
0x43: {  	_ =	shalt  }
0x44: {  	_ =	shalt  }
0x45: {  	_ =	shalt  }
0x46: {  	_ =	shalt  }
0x47: {  	_ =	shalt  }
0x48: {  	_ =	shalt  }
0x49: {  	_ =	shalt  }
0x4a: {  	_ =	shalt  }
0x4b: {  	_ =	shalt  }
0x4c: {  	_ =	shalt  }
0x4d: {  	_ =	shalt  }
0x4e: {  	_ =	shalt  }
0x4f: {  	_ =	shalt  }
0x50: {  	_ =	shalt  }
0x51: {  	_ =	shalt  }
0x52: {  	_ =	shalt  }
0x53: {  	_ =	shalt  }
0x54: {  	_ =	shalt  }
0x55: {  	_ =	shalt  }
0x56: {  	_ =	shalt  }
0x57: {  	_ =	shalt  }
0x58: {  	_ =	shalt  }
0x59: {  	_ =	shalt  }
0x5a: {  	_ =	shalt  }
0x5b: {  	_ =	shalt  }
0x5c: {  	_ =	shalt  }
0x5d: {  	_ =	shalt  }
0x5e: {  	_ =	shalt  }
0x5f: {  	_ =	shalt  }
0x60: {  	_ =	shalt  }
0x61: {  	_ =	shalt  }
0x62: {  	_ =	shalt  }
0x63: {  	_ =	shalt  }
0x64: {  	_ =	shalt  }
0x65: {  	_ =	shalt  }
0x66: {  	_ =	shalt  }
0x67: {  	_ =	shalt  }
0x68: {  	_ =	shalt  }
0x69: {  	_ =	shalt  }
0x6a: {  	_ =	shalt  }
0x6b: {  	_ =	shalt  }
0x6c: {  	_ =	shalt  }
0x6d: {  	_ =	shalt  }
0x6e: {  	_ =	shalt  }
0x6f: {  	_ =	shalt  }
0x70: {  	_ =	shalt  }
0x71: {  	_ =	shalt  }
0x72: {  	_ =	shalt  }
0x73: {  	_ =	shalt  }
0x74: {  	_ =	shalt  }
0x75: {  	_ =	shalt  }
0x76: {  	_ =	shalt  }
0x77: {  	_ =	shalt  }
0x78: {  	_ =	shalt  }
0x79: {  	_ =	shalt  }
0x7a: {  	_ =	shalt  }
0x7b: {  	_ =	shalt  }
0x7c: {  	_ =	shalt  }
0x7d: {  	_ =	shalt  }
0x7e: {  	_ =	shalt  }
0x7f: {  	_ =	shalt  }
0x80: {  	_ =	shalt  }
0x81: {  	_ =	shalt  }
0x82: {  	_ =	shalt  }
0x83: {  	_ =	shalt  }
0x84: {  	_ =	shalt  }
0x85: {  	_ =	shalt  }
0x86: {  	_ =	shalt  }
0x87: {  	_ =	shalt  }
.Lfunc_end0:
.L_simem_size_0:
called_computation_lowered:
.L_overlay_start_0:
0x88: {  	s2 =	sld [smem:$0x3FD9]  }
0x89: {  	s3 =	sld [smem:$0x3FFE];
	_ =	sdelay $0x1  }
0x8a: {  	s1 =	srdreg.scid  }
0x8b: {  	s0 =	sand.u32 $0x1, s1  }
0x8c: {  	s17 =	sshll.u32 s0, $0xA;
	s2 =	sadd.s32 s3, s2  }
0x8d: {  	s2 =	sadd.s32 s2, s17  }
0x8e: {  	[smem:$0x3FC5] =	sst s2  }
0x8f: {  	_ = 	snop  }
0x90: {  	s2 =	sld [smem:$0x3FC9]  }
0x91: {  	s18 =	sld [smem:$0x3FC7]  }
0x92: {  	s4 =	sld [smem:$0x3FD0];
	(tm) =	ssettm $0x1  }
0x93: {  	s5 =	sld [smem:$0x3FFB];
	_ =	sdelay $0x3  }
0x94: {  	_ =	strace s5  }
0x95: {  	s5 =	sld [smem:$0x3FFC];
	_ =	sdelay $0x3  }
0x96: {  	_ =	strace s5  }
0x97: {  	s5 =	sld [smem:$0x3FFD];
	_ =	sdelay $0x3  }
0x98: {  	_ =	strace s5  }
0x99: {  	_ =	strace $0x8FFFFFFF  }
0x9a: {  	s19 =	sld [smem:$0x3FDB];
	_ =	sdelay $0x1  }
0x9b: {  	s6 =	simm.s32 $_scs_section_size  }
0x9c: {  	s7 =	simm.s32 $_size__tile_overlayer_lowered;
	s8 =	simm.s32 $_tile_overlayer_lowered  }
0x9d: {  	s22 =	simm.s32 $0x1BFF;
	s21 =	sshll.u32 s8, $0x1;
	s5 =	sadd.s32 s6, s19  }
0x9e: {  	s9 =	simm.s32 $0x0;
	s20 =	sshll.u32 s7, $0x1;
	s7 =	sadd.s32 s21, s5  }
0x9f: {  	[timem:s9], [sflag:s22] =	dma.local [hbm:s7], s20  }
0xa0: {  	_ =	swait.ge [sflag:s22], s20  }
0xa1: {  	s6 =	ssub.s32 $0x0, s20;
	[sflag:s22] =	ssyncset.done $0x0  }
0xa2: {  	[sflag:s22] =	ssyncadd.s32 s6;
	_ =	sdelay $0x1  }
0xa3: {  	s23 =	simm.s32 $0x1B8B  }
0xa4: {  	_ =	swait.ge [sflag:s23], $0x1  }
0xa5: {  	[sflag:s23] =	ssyncset.done $0x0  }
0xa6: {  	s25 =	simm.s32 $0x1B8E;
	s24 =	sld [smem:$0x3FFE];
	[sflag:s23] =	ssyncadd.s32 $0xFFFFFFFF  }
0xa7: {  	s26 =	simm.s32 $execute0_lowered;
	[smem:$0x3FD2] =	sst s25  }
0xa8: {  	s7 =	sshll.u32 s26, $0x1;
	_ =	strace $0x80000046;
	[dreg:$0x1] =	wrdreg $0xFFFFFFFF  }
0xa9: {  	s28 =	simm.s32 $_size_execute0_lowered;
	s5 =	sadd.s32 s5, s7;
	[dreg:$0x0] =	wrdreg $0x0  }
0xaa: {  	s7 =	sshll.u32 s28, $0x1;
	[dreg:$0x2] =	wrdreg s5  }
0xab: {  	[dreg:$0x3] =	wrdreg s7  }
0xac: {  	[dreg:$0x4] =	wrdreg $0xC0  }
0xad: {  	_ =	task [dreg:s9], $0x5FFFF  }
0xae: {  	[dreg:$0x1] =	wrdreg $0xFFFFFFFF  }
0xaf: {  	[dreg:$0x0] =	wrdreg $0x60  }
0xb0: {  	[dreg:$0x2] =	wrdreg s2  }
0xb1: {  	[dreg:$0x3] =	wrdreg s24  }
0xb2: {  	[dreg:$0x4] =	wrdreg s18  }
0xb3: {  	[dreg:$0x5] =	wrdreg s4  }
0xb4: {  	[dreg:$0x6] =	wrdreg $0x9  }
0xb5: {  	_ =	task.clear_ibuf [dreg:s9], $0x7FFFF;
	_ =	strace $0x90000046  }
0xb6: {  	s29 =	simm.s32 $0x9;
	_ =	strace $0x80000048  }
0xb7: {  	_ =	swait.ge [sflag:s29], $0x1  }
0xb8: {  	[sflag:s29] =	ssyncadd.s32 $0xFFFFFFFF  }
0xb9: {  	_ =	strace $0x90000048  }
0xba: {  	_ =	sfence  }
0xbb: {  	s30 =	sld [smem:$0x0];
	_ =	sdelay $0x2  }
0xbc: {  	s31 =	sshll.u32 s1, $0xD;
	s1 =	sshrl.u32 s1, $0x2  }
0xbd: {  	s3 =	sand.u32 $0x4000, s31;
	s1 =	sadd.s32 s1, s30  }
0xbe: {  	s0 =	sor.u32 s3, s0;
	s1 =	sshll.u32 s1, $0x11  }
0xbf: {  	s0 =	sor.u32 s1, s0  }
0xc0: {  	s0 =	sadd.s32 $0x8F2B, s0  }
0xc1: {  	[sflag:s0] =	ssyncadd.remote.s32 $0x1  }
0xc2: {  	_ =	sfence.sel $0xFFFF  }
0xc3: {  	[dreg:$0x0] =	wrdreg $0xFFFFFFFF;
	(pc) =	sbr.abs _section_cstart, $3  }
0xc4: {  	[dreg:$0x1] =	wrdreg $0xFFFFFFFF  }
0xc5: {  	_ =	task.clear_ibuf [dreg:s9], $0x2FFFF;
	_ =	strace $0x9FFFFFFF  }
0xc6: {  	(tm) =	ssettm $0x7FFFFFFF  }
0xc7: {  	_ =	shalt  }
tec
execute0_lowered:
.L_overlay_start_1:
0x0: {  	(tag) =	ssettag $0x1  }
0x1: {  	s0 =	rddreg [dreg:$0x0]  }
0x2: {  	s1 =	rddreg [dreg:$0x1]  }
0x3: {  	s2 =	srdreg.scid;
	s4 =	rddreg [dreg:$0x2]  }
0x4: {  	s10 =	stileid.u32;
	s13 =	rddreg [dreg:$0x3];
	s3 =	simm.s32 $0x0  }
0x5: {  	s2 =	sand.u32 $0x1, s2;
	s6 =	sshrl.u32 s10, $0x3;
	[smem:$0x7FF] =	sst s3  }
0x6: {  	s8 =	sshll.u32 s10, $0x11;
	s10 =	sand.u32 $0x7, s10;
	s17 =	sadd.s32 $0x500, s13  }
0x7: {  	s18 =	sadd.s32 $0x600, s13;
	s19 =	sadd.s32 $0x700, s13;
	s5 =	sshll.u32 s2, $0x1  }
0x8: {  	_ =	strace $0x80000047;
	s20 =	ssub.s32 $0x2, s2;
	[dreg:$0x14] =	wrdreg s17  }
0x9: {  	s2 =	sshll.u32 s2, $0x15;
	s11 =	sshll.u32 s10, $0x4;
	[dreg:$0x15] =	wrdreg s18  }
0xa: {  	s30 =	sshll.u32 s10, $0xD;
	p0 =	sgt.u32 s10, $0x3;
	[dreg:$0x16] =	wrdreg s19  }
0xb: {  	s10 =	simm.s32 $0x4;
	s6 =	sor.u32 s6, s5;
	s21 =	sor.u32 s8, s2  }
0xc: {  	s7 =	sshrl.u32 s20, $0x1;
	s22 =	sor.u32 $0x1000, s21;
	s23 =	sadd.s32 s0, s21  }
0xd: {  	s24 =	sor.u32 $0x2000, s21;
	s12 =	sadd.s32 s0, s22;
	[dreg:$0x6] =	wrdreg s23  }
0xe: {  	s15 =	sadd.s32 s2, s13;
	s14 =	sadd.s32 s0, s24;
	[dreg:$0x7] =	wrdreg s12  }
0xf: {  	s5 =	sshll.u32 s6, $0x4;
	s25 =	sadd.s32 $0x3000, s23;
	[dreg:$0x8] =	wrdreg s14  }
0x10: {  	s9 =	ssub.s32 s20, s7;
	s26 =	sadd.s32 s13, s24;
	[dreg:$0xa] =	wrdreg s25  }
0x11: {  	s7 =	sadd.s32 s13, s21;
	s28 =	sadd.s32 $0x4000, s23;
	[dreg:$0xb] =	wrdreg s26  }
0x12: {  	s6 =	sshll.u32 s6, $0xB;
	s29 =	sadd.s32 $0x1E000, s7;
	[dreg:$0xc] =	wrdreg s28  }
0x13: {  	s21 =	sadd.s32 s8, s15;
	s31 =	sadd.s32 $0x1F000, s7;
	[dreg:$0xd] =	wrdreg s29  }
0x14: {  	s16 =	sor.u32 s11, s6;
	s6 =	sadd.s32 $0x100, s13;
	[dreg:$0xe] =	wrdreg s31  }
0x15: {  	s1 =	sadd.s32 s5, s1;
	s11 =	sadd.s32 $0x200, s13;
	[dreg:$0x10] =	wrdreg s6  }
0x16: {  	s0 =	sadd.s32 s2, s0;
	s23 =	sadd.s32 $0x900, s13;
	[dreg:$0x11] =	wrdreg s11  }
0x17: {  	s24 =	sadd.s32 $0xA00, s13;
	s1 =	sadd.s32 $0x400, s1;
	[dreg:$0x18] =	wrdreg s23  }
0x18: {  	s12 =	sadd.s32 $0x300, s13;
	s14 =	sadd.s32 $0x400, s13;
	[dreg:$0x19] =	wrdreg s24  }
0x19: {  	s20 =	sadd.s32 s8, s0;
	s25 =	smax.u32 s9, $0x1;
	[dreg:$0x5] =	wrdreg s1  }
0x1a: {  	s26 =	sadd.s32 $0xB00, s13;
	s28 =	sadd.s32 $0xC00, s13;
	[dreg:$0x12] =	wrdreg s12  }
0x1b: {  	s29 =	sadd.s32 $0xD00, s13;
	s31 =	sadd.s32 $0xF00, s13;
	[dreg:$0x13] =	wrdreg s14  }
0x1c: {  	s0 =	simm.s32 $0x18000;
	s6 =	simm.s32 $0x1;
	[dreg:$0x1a] =	wrdreg s26  }
0x1d: {  	v3 =	vlaneseq.u32;
	s8 =	simm.s32 $0x10000;
	s9 =	simm.s32 $0x2;
	[dreg:$0x1b] =	wrdreg s28  }
0x1e: {  	s11 =	simm.s32 $0x3;
	v0 =	vor.u32 s16, v3;
	s16 =	simm.s32 $0x0;
	[dreg:$0x1c] =	wrdreg s29  }
.Ltmp0:
0x1f: {  	s1 =	sadd.s32 s13, s22;
	[dreg:$0x1e] =	wrdreg s31;
	(pc) =	sbr.rel .LBB2_1-.Ltmp0, $4  }
0x20: {  	s22 =	sadd.s32 $0x800, s13;
	s12 =	simm.s32 $0x5;
	[dreg:$0x9] =	wrdreg s1  }
0x21: {  	s1 =	sadd.s32 s4, s30;
	[dreg:$0x17] =	wrdreg s22;
	s30 =	sadd.s32 $0xE00, s13  }
0x22: {  	vm0 =	vmmov $0xffff;
	v2 =	vshrl.u32 v3, $0x3;
	s4 =	simm.s32 $0x8000;
	s13 =	simm.s32 $0x6;
	[dreg:$0xf] =	wrdreg s1  }
0x23: {  	v1 =	vand.u32 $0x7, v3;
	v2 =	vmul.u32 $0x8, v2;
	v3 =	vor.u32 $0x8, v3;
	s22 =	simm.s32 $0x7;
	[dreg:$0x1d] =	wrdreg s30;
	s1 =	simm.s32 $0x8  }
.LBB2_5:
0x24: {  	[bflag:$0x0] =	sbarrier.arrive $0xFFFF  }
.LBB2_6:
0x25: {  	s16 =	sadd.s32 $0x1, s16  }
0x26: {  	p1 =	sne.s32 s16, s25  }
.Ltmp1:
0x27: {  	_ = 	snop;
	(pc) =	sbr.rel @!p1 .LBB2_7-.Ltmp1, $1  }
0x28: {  	_ =	sdelay $0x3  }
.LBB2_1:
0x29: {  	s5 =	rddreg [dreg:$0x5]  }
0x2a: {  	[tilespmem:s0], [sflag:$0x8] =	stream.linear.gather [hbm4b:s5+s3], $0x80, $0x38;
	[tilespmem:$0x18100] =	vst v63  }
0x2b: {  	_ =	swait.ge [sflag:s1], $0x80  }
0x2c: {  	[sflag:s1] =	ssyncset.done $0x0  }
0x2d: {  	s14 =	rddreg [dreg:$0x6];
	[sflag:s1] =	ssyncadd.s32 $0xFFFFFF80  }
0x2e: {  	[tilespmem:s3], [sflag:$0x1] =	stream.linear.gather [hbm4b:s14+s3], $0x8000, $0x38;
	[tilespmem:$0x18100] =	vst v63  }
0x2f: {  	s15 =	rddreg [dreg:$0x7]  }
0x30: {  	[tilespmem:s4], [sflag:$0x2] =	stream.linear.gather [hbm4b:s15+s3], $0x8000, $0x38;
	[tilespmem:$0x18100] =	vst v63  }
0x31: {  	_ =	swait.ge [sflag:s6], $0x8000  }
0x32: {  	[sflag:s6] =	ssyncset.done $0x0  }
0x33: {  	[sflag:s6] =	ssyncadd.s32 $0xFFFF8000  }
0x34: {  	[hbm4b:s7+s3] =	stream.linear.scatter [tilespmem:s3], [sflag:$0x4], $0x8000, $0x38;
	[tilespmem:$0x18100] =	vst v63  }
0x35: {  	s17 =	rddreg [dreg:$0x8]  }
0x36: {  	[tilespmem:s8], [sflag:$0x3] =	stream.linear.gather [hbm4b:s17+s3], $0x8000, $0x38;
	[tilespmem:$0x18100] =	vst v63  }
0x37: {  	_ =	swait.ge [sflag:s9], $0x8000  }
0x38: {  	[sflag:s9] =	ssyncset.done $0x0  }
0x39: {  	s18 =	rddreg [dreg:$0x9];
	[sflag:s9] =	ssyncadd.s32 $0xFFFF8000  }
0x3a: {  	[hbm4b:s18+s3] =	stream.linear.scatter [tilespmem:s4], [sflag:$0x5], $0x8000, $0x38;
	[tilespmem:$0x18100] =	vst v63  }
0x3b: {  	_ =	swait.ge [sflag:s10], $0x8000  }
0x3c: {  	[sflag:s10] =	ssyncset.done $0x0  }
0x3d: {  	s19 =	rddreg [dreg:$0xa];
	[sflag:s10] =	ssyncadd.s32 $0xFFFF8000  }
0x3e: {  	[tilespmem:s3], [sflag:$0x1] =	stream.linear.gather [hbm4b:s19+s3], $0x8000, $0x38;
	[tilespmem:$0x18100] =	vst v63  }
0x3f: {  	_ =	swait.ge [sflag:s11], $0x8000  }
0x40: {  	[sflag:s11] =	ssyncset.done $0x0  }
0x41: {  	s23 =	rddreg [dreg:$0xb];
	[sflag:s11] =	ssyncadd.s32 $0xFFFF8000  }
0x42: {  	[hbm4b:s23+s3] =	stream.linear.scatter [tilespmem:s8], [sflag:$0x6], $0x8000, $0x38;
	[tilespmem:$0x18100] =	vst v63  }
0x43: {  	_ =	swait.ge [sflag:s12], $0x8000  }
0x44: {  	[sflag:s12] =	ssyncset.done $0x0  }
0x45: {  	s24 =	rddreg [dreg:$0xc];
	[sflag:s12] =	ssyncadd.s32 $0xFFFF8000  }
0x46: {  	[tilespmem:s4], [sflag:$0x2] =	stream.linear.gather [hbm4b:s24+s3], $0x8000, $0x38;
	[tilespmem:$0x18100] =	vst v63  }
0x47: {  	_ =	swait.ge [sflag:s6], $0x8000  }
0x48: {  	s17 =	sadd.s32 $0x0, s21;
	[sflag:s6] =	ssyncset.done $0x0  }
0x49: {  	s18 =	sadd.s32 $0x3000, s17;
	[sflag:s6] =	ssyncadd.s32 $0xFFFF8000  }
0x4a: {  	[hbm4b:s18+s3] =	stream.linear.scatter [tilespmem:s3], [sflag:$0x4], $0x8000, $0x38;
	[tilespmem:$0x18100] =	vst v63  }
0x4b: {  	_ =	swait.ge [sflag:s13], $0x8000  }
0x4c: {  	s26 =	sadd.s32 $0x0, s20;
	[sflag:s13] =	ssyncset.done $0x0  }
0x4d: {  	s28 =	sadd.s32 $0x5000, s26;
	[sflag:s13] =	ssyncadd.s32 $0xFFFF8000  }
0x4e: {  	[tilespmem:s8], [sflag:$0x3] =	stream.linear.gather [hbm4b:s28+s3], $0x8000, $0x38;
	[tilespmem:$0x18100] =	vst v63  }
0x4f: {  	_ =	swait.ge [sflag:s9], $0x8000  }
0x50: {  	[sflag:s9] =	ssyncset.done $0x0  }
0x51: {  	s29 =	sadd.s32 $0x4000, s17;
	[sflag:s9] =	ssyncadd.s32 $0xFFFF8000  }
0x52: {  	[hbm4b:s29+s3] =	stream.linear.scatter [tilespmem:s4], [sflag:$0x5], $0x8000, $0x38;
	[tilespmem:$0x18100] =	vst v63  }
0x53: {  	_ =	swait.ge [sflag:s10], $0x8000  }
0x54: {  	[sflag:s10] =	ssyncset.done $0x0  }
0x55: {  	s30 =	sadd.s32 $0x6000, s26;
	[sflag:s10] =	ssyncadd.s32 $0xFFFF8000  }
0x56: {  	[tilespmem:s3], [sflag:$0x1] =	stream.linear.gather [hbm4b:s30+s3], $0x8000, $0x38;
	[tilespmem:$0x18100] =	vst v63  }
0x57: {  	_ =	swait.ge [sflag:s11], $0x8000  }
0x58: {  	[sflag:s11] =	ssyncset.done $0x0  }
0x59: {  	s31 =	sadd.s32 $0x5000, s17;
	[sflag:s11] =	ssyncadd.s32 $0xFFFF8000  }
0x5a: {  	[hbm4b:s31+s3] =	stream.linear.scatter [tilespmem:s8], [sflag:$0x6], $0x8000, $0x38;
	[tilespmem:$0x18100] =	vst v63  }
0x5b: {  	_ =	swait.ge [sflag:s12], $0x8000  }
0x5c: {  	[sflag:s12] =	ssyncset.done $0x0  }
0x5d: {  	s17 =	simm.s32 $0x3000;
	s18 =	sadd.s32 $0x7000, s26;
	[sflag:s12] =	ssyncadd.s32 $0xFFFF8000  }
.LBB2_2:
0x5e: {  	[tilespmem:s4], [sflag:$0x2] =	stream.linear.gather [hbm4b:s18+s3], $0x8000, $0x38;
	[tilespmem:$0x18100] =	vst v63  }
0x5f: {  	s5 =	smov.u32 s17  }
0x60: {  	p1 =	sne.s32 s17, $0x18000;
	s17 =	sadd.s32 $0x3000, s17;
	_ =	swait.ge [sflag:s6], $0x8000  }
0x61: {  	s18 =	sadd.s32 s5, s21;
	[sflag:s6] =	ssyncset.done $0x0  }
0x62: {  	s19 =	sadd.s32 $0x3000, s18;
	[sflag:s6] =	ssyncadd.s32 $0xFFFF8000  }
0x63: {  	[hbm4b:s19+s3] =	stream.linear.scatter [tilespmem:s3], [sflag:$0x4], $0x8000, $0x38;
	[tilespmem:$0x18100] =	vst v63  }
0x64: {  	_ =	swait.ge [sflag:s13], $0x8000  }
0x65: {  	s5 =	sadd.s32 s5, s20;
	[sflag:s13] =	ssyncset.done $0x0  }
0x66: {  	s19 =	sadd.s32 $0x5000, s5;
	[sflag:s13] =	ssyncadd.s32 $0xFFFF8000  }
0x67: {  	[tilespmem:s8], [sflag:$0x3] =	stream.linear.gather [hbm4b:s19+s3], $0x8000, $0x38;
	[tilespmem:$0x18100] =	vst v63  }
0x68: {  	_ =	swait.ge [sflag:s9], $0x8000  }
0x69: {  	[sflag:s9] =	ssyncset.done $0x0  }
0x6a: {  	s19 =	sadd.s32 $0x4000, s18;
	[sflag:s9] =	ssyncadd.s32 $0xFFFF8000  }
0x6b: {  	[hbm4b:s19+s3] =	stream.linear.scatter [tilespmem:s4], [sflag:$0x5], $0x8000, $0x38;
	[tilespmem:$0x18100] =	vst v63  }
0x6c: {  	_ =	swait.ge [sflag:s10], $0x8000  }
0x6d: {  	[sflag:s10] =	ssyncset.done $0x0  }
0x6e: {  	s19 =	sadd.s32 $0x6000, s5;
	[sflag:s10] =	ssyncadd.s32 $0xFFFF8000  }
0x6f: {  	[tilespmem:s3], [sflag:$0x1] =	stream.linear.gather [hbm4b:s19+s3], $0x8000, $0x38;
	[tilespmem:$0x18100] =	vst v63  }
0x70: {  	_ =	swait.ge [sflag:s11], $0x8000  }
0x71: {  	[sflag:s11] =	ssyncset.done $0x0  }
.Ltmp2:
0x72: {  	s18 =	sadd.s32 $0x5000, s18;
	[sflag:s11] =	ssyncadd.s32 $0xFFFF8000;
	(pc) =	sbr.rel @p1 .LBB2_2-.Ltmp2, $4  }
0x73: {  	[hbm4b:s18+s3] =	stream.linear.scatter [tilespmem:s8], [sflag:$0x6], $0x8000, $0x38;
	[tilespmem:$0x18100] =	vst v63  }
0x74: {  	_ =	swait.ge [sflag:s12], $0x8000  }
0x75: {  	[sflag:s12] =	ssyncset.done $0x0  }
0x76: {  	s18 =	sadd.s32 $0x7000, s5;
	[sflag:s12] =	ssyncadd.s32 $0xFFFF8000  }
0x77: {  	[tilespmem:s4], [sflag:$0x2] =	stream.linear.gather [hbm4b:s18+s3], $0x8000, $0x38;
	[tilespmem:$0x18100] =	vst v63  }
0x78: {  	_ =	swait.ge [sflag:s6], $0x8000  }
0x79: {  	[sflag:s6] =	ssyncset.done $0x0  }
0x7a: {  	s5 =	rddreg [dreg:$0xd];
	[sflag:s6] =	ssyncadd.s32 $0xFFFF8000  }
0x7b: {  	[hbm4b:s5+s3] =	stream.linear.scatter [tilespmem:s3], [sflag:$0x4], $0x8000, $0x38;
	[tilespmem:$0x18100] =	vst v63  }
0x7c: {  	_ =	swait.ge [sflag:s9], $0x8000  }
0x7d: {  	[sflag:s9] =	ssyncset.done $0x0  }
0x7e: {  	s31 =	rddreg [dreg:$0xe];
	[sflag:s9] =	ssyncadd.s32 $0xFFFF8000  }
0x7f: {  	[hbm4b:s31+s3] =	stream.linear.scatter [tilespmem:s4], [sflag:$0x5], $0x8000, $0x38;
	[tilespmem:$0x18100] =	vst v63  }
0x80: {  	_ =	swait.ge [sflag:s13], $0x8000  }
0x81: {  	[sflag:s13] =	ssyncset.done $0x0  }
0x82: {  	[sflag:s13] =	ssyncadd.s32 $0xFFFF8000  }
0x83: {  	_ =	swait.ge [sflag:s10], $0x8000  }
.Ltmp3:
0x84: {  	[sflag:s10] =	ssyncset.done $0x0;
	(pc) =	sbr.rel @p0 .LBB2_5-.Ltmp3, $4  }
0x85: {  	[sflag:s10] =	ssyncadd.s32 $0xFFFF8000  }
0x86: {  	_ =	swait.ge [sflag:s12], $0x8000  }
0x87: {  	[sflag:s12] =	ssyncset.done $0x0  }
0x88: {  	[sflag:s12] =	ssyncadd.s32 $0xFFFF8000  }
0x89: {  	s5 =	rddreg [dreg:$0xf]  }
0x8a: {  	[tilespmem:s3], [sflag:$0x7] =	stream.linear.gather [hbm4b:s5+s3], $0x10000, $0x38;
	[tilespmem:$0x18100] =	vst v63  }
0x8b: {  	[bflag:$0x0] =	sbarrier.arrive $0xFFFF  }
0x8c: {  	_ =	swait.ge [sflag:s22], $0x10000  }
0x8d: {  	[sflag:s22] =	ssyncset.done $0x0  }
0x8e: {  	[sflag:s22] =	ssyncadd.s32 $0xFFFF0000  }
0x8f: {  	v4 =	vld [tilespmem:$0x18000];
	_ =	sdelay $0x4  }
0x90: {  	v4 =	vadd.s32 v4, v0  }
0x91: {  	v5 =	vshll.u32 v4, $0x5  }
0x92: {  	v6 =	vand.u32 $0x7, v4;
	v5 =	vand.u32 $0xFFFFFF00, v5  }
0x93: {  	v5 =	vor.u32 v6, v5  }
0x94: {  	v6 =	vperm.xlane v5, v1;
	_ =	sdelay $0x1  }
0x95: {  	v6 =	vadd.s32 v2, v6;
	_ =	sdelay $0x3  }
0x96: {  	s2 =	rddreg [dreg:$0x3];
	[tilespmem:$0x18080] =	vst v4  }
0x97: {  	[hbm4b:s2+s3] =	stream.indirect_vreg.scatter [tilespmem:s3], [sflag:$0x7], $0x80, v6, vm0, $0xb8;
	[tilespmem:$0x18100] =	vst v63  }
0x98: {  	s0 =	simm.s32 $0x800;
	s17 =	rddreg [dreg:$0x10]  }
0x99: {  	[hbm4b:s17+s3] =	stream.indirect_vreg.scatter [tilespmem:s0], [sflag:$0x7], $0x80, v6, vm0, $0xb8;
	[tilespmem:$0x18100] =	vst v63  }
0x9a: {  	s14 =	simm.s32 $0x1000;
	s18 =	rddreg [dreg:$0x11]  }
0x9b: {  	[hbm4b:s18+s3] =	stream.indirect_vreg.scatter [tilespmem:s14], [sflag:$0x7], $0x80, v6, vm0, $0xb8;
	[tilespmem:$0x18100] =	vst v63  }
0x9c: {  	s15 =	simm.s32 $0x1800;
	s19 =	rddreg [dreg:$0x12]  }
0x9d: {  	[hbm4b:s19+s3] =	stream.indirect_vreg.scatter [tilespmem:s15], [sflag:$0x7], $0x80, v6, vm0, $0xb8;
	[tilespmem:$0x18100] =	vst v63  }
0x9e: {  	s23 =	simm.s32 $0x2000;
	s5 =	smov.u32 s7;
	s7 =	rddreg [dreg:$0x13]  }
0x9f: {  	[hbm4b:s7+s3] =	stream.indirect_vreg.scatter [tilespmem:s23], [sflag:$0x7], $0x80, v6, vm0, $0xb8;
	[tilespmem:$0x18100] =	vst v63  }
0xa0: {  	s24 =	simm.s32 $0x2800;
	s23 =	rddreg [dreg:$0x14]  }
0xa1: {  	[hbm4b:s23+s3] =	stream.indirect_vreg.scatter [tilespmem:s24], [sflag:$0x7], $0x80, v6, vm0, $0xb8;
	[tilespmem:$0x18100] =	vst v63  }
0xa2: {  	s26 =	simm.s32 $0x3000;
	s24 =	rddreg [dreg:$0x15]  }
0xa3: {  	[hbm4b:s24+s3] =	stream.indirect_vreg.scatter [tilespmem:s26], [sflag:$0x7], $0x80, v6, vm0, $0xb8;
	[tilespmem:$0x18100] =	vst v63  }
0xa4: {  	s28 =	simm.s32 $0x3800;
	s26 =	rddreg [dreg:$0x16]  }
0xa5: {  	[hbm4b:s26+s3] =	stream.indirect_vreg.scatter [tilespmem:s28], [sflag:$0x7], $0x80, v6, vm0, $0xb8;
	[tilespmem:$0x18100] =	vst v63  }
0xa6: {  	s29 =	simm.s32 $0x4000;
	s28 =	rddreg [dreg:$0x17]  }
0xa7: {  	[hbm4b:s28+s3] =	stream.indirect_vreg.scatter [tilespmem:s29], [sflag:$0x7], $0x80, v6, vm0, $0xb8;
	[tilespmem:$0x18100] =	vst v63  }
0xa8: {  	s30 =	simm.s32 $0x4800;
	s29 =	rddreg [dreg:$0x18]  }
0xa9: {  	[hbm4b:s29+s3] =	stream.indirect_vreg.scatter [tilespmem:s30], [sflag:$0x7], $0x80, v6, vm0, $0xb8;
	[tilespmem:$0x18100] =	vst v63  }
0xaa: {  	s31 =	simm.s32 $0x5000;
	s30 =	rddreg [dreg:$0x19]  }
0xab: {  	[hbm4b:s30+s3] =	stream.indirect_vreg.scatter [tilespmem:s31], [sflag:$0x7], $0x80, v6, vm0, $0xb8;
	[tilespmem:$0x18100] =	vst v63  }
0xac: {  	s1 =	simm.s32 $0x5800;
	s31 =	rddreg [dreg:$0x1a]  }
0xad: {  	[hbm4b:s31+s3] =	stream.indirect_vreg.scatter [tilespmem:s1], [sflag:$0x7], $0x80, v6, vm0, $0xb8;
	[tilespmem:$0x18100] =	vst v63  }
0xae: {  	s2 =	simm.s32 $0x6000;
	s1 =	rddreg [dreg:$0x1b]  }
0xaf: {  	[hbm4b:s1+s3] =	stream.indirect_vreg.scatter [tilespmem:s2], [sflag:$0x7], $0x80, v6, vm0, $0xb8;
	[tilespmem:$0x18100] =	vst v63  }
0xb0: {  	v4 =	vperm.xlane v5, v3;
	s0 =	rddreg [dreg:$0x1c];
	s2 =	simm.s32 $0x6800  }
0xb1: {  	[hbm4b:s0+s3] =	stream.indirect_vreg.scatter [tilespmem:s2], [sflag:$0x7], $0x80, v6, vm0, $0xb8;
	[tilespmem:$0x18100] =	vst v63  }
0xb2: {  	v4 =	vadd.s32 v2, v4;
	s14 =	simm.s32 $0x7000;
	s15 =	rddreg [dreg:$0x1d]  }
0xb3: {  	[hbm4b:s15+s3] =	stream.indirect_vreg.scatter [tilespmem:s14], [sflag:$0x7], $0x80, v6, vm0, $0xb8;
	[tilespmem:$0x18100] =	vst v63  }
0xb4: {  	s2 =	rddreg [dreg:$0x1e];
	s14 =	simm.s32 $0x7800  }
0xb5: {  	[hbm4b:s2+s3] =	stream.indirect_vreg.scatter [tilespmem:s14], [sflag:$0x7], $0x80, v6, vm0, $0xb8;
	[tilespmem:$0x18100] =	vst v63  }
0xb6: {  	s14 =	rddreg [dreg:$0x3]  }
0xb7: {  	[hbm4b:s14+s3] =	stream.indirect_vreg.scatter [tilespmem:s4], [sflag:$0x7], $0x80, v4, vm0, $0xb8;
	[tilespmem:$0x18100] =	vst v63  }
0xb8: {  	s14 =	simm.s32 $0x8800  }
0xb9: {  	[hbm4b:s17+s3] =	stream.indirect_vreg.scatter [tilespmem:s14], [sflag:$0x7], $0x80, v4, vm0, $0xb8;
	[tilespmem:$0x18100] =	vst v63  }
0xba: {  	s17 =	simm.s32 $0x9000  }
0xbb: {  	[hbm4b:s18+s3] =	stream.indirect_vreg.scatter [tilespmem:s17], [sflag:$0x7], $0x80, v4, vm0, $0xb8;
	[tilespmem:$0x18100] =	vst v63  }
0xbc: {  	s18 =	simm.s32 $0x9800  }
0xbd: {  	[hbm4b:s19+s3] =	stream.indirect_vreg.scatter [tilespmem:s18], [sflag:$0x7], $0x80, v4, vm0, $0xb8;
	[tilespmem:$0x18100] =	vst v63  }
0xbe: {  	s19 =	simm.s32 $0xA000  }
0xbf: {  	[hbm4b:s7+s3] =	stream.indirect_vreg.scatter [tilespmem:s19], [sflag:$0x7], $0x80, v4, vm0, $0xb8;
	[tilespmem:$0x18100] =	vst v63  }
0xc0: {  	s14 =	simm.s32 $0xA800  }
0xc1: {  	[hbm4b:s23+s3] =	stream.indirect_vreg.scatter [tilespmem:s14], [sflag:$0x7], $0x80, v4, vm0, $0xb8;
	[tilespmem:$0x18100] =	vst v63  }
0xc2: {  	s17 =	simm.s32 $0xB000  }
0xc3: {  	[hbm4b:s24+s3] =	stream.indirect_vreg.scatter [tilespmem:s17], [sflag:$0x7], $0x80, v4, vm0, $0xb8;
	[tilespmem:$0x18100] =	vst v63  }
0xc4: {  	s18 =	simm.s32 $0xB800  }
0xc5: {  	[hbm4b:s26+s3] =	stream.indirect_vreg.scatter [tilespmem:s18], [sflag:$0x7], $0x80, v4, vm0, $0xb8;
	[tilespmem:$0x18100] =	vst v63  }
0xc6: {  	s19 =	simm.s32 $0xC000  }
0xc7: {  	[hbm4b:s28+s3] =	stream.indirect_vreg.scatter [tilespmem:s19], [sflag:$0x7], $0x80, v4, vm0, $0xb8;
	[tilespmem:$0x18100] =	vst v63  }
0xc8: {  	s23 =	simm.s32 $0xC800  }
0xc9: {  	[hbm4b:s29+s3] =	stream.indirect_vreg.scatter [tilespmem:s23], [sflag:$0x7], $0x80, v4, vm0, $0xb8;
	[tilespmem:$0x18100] =	vst v63  }
0xca: {  	s24 =	simm.s32 $0xD000  }
0xcb: {  	[hbm4b:s30+s3] =	stream.indirect_vreg.scatter [tilespmem:s24], [sflag:$0x7], $0x80, v4, vm0, $0xb8;
	[tilespmem:$0x18100] =	vst v63  }
0xcc: {  	s26 =	simm.s32 $0xD800  }
0xcd: {  	[hbm4b:s31+s3] =	stream.indirect_vreg.scatter [tilespmem:s26], [sflag:$0x7], $0x80, v4, vm0, $0xb8;
	[tilespmem:$0x18100] =	vst v63  }
0xce: {  	s28 =	simm.s32 $0xE000  }
0xcf: {  	[hbm4b:s1+s3] =	stream.indirect_vreg.scatter [tilespmem:s28], [sflag:$0x7], $0x80, v4, vm0, $0xb8;
	[tilespmem:$0x18100] =	vst v63  }
0xd0: {  	s29 =	simm.s32 $0xE800  }
0xd1: {  	[hbm4b:s0+s3] =	stream.indirect_vreg.scatter [tilespmem:s29], [sflag:$0x7], $0x80, v4, vm0, $0xb8;
	[tilespmem:$0x18100] =	vst v63  }
0xd2: {  	s30 =	simm.s32 $0xF000  }
0xd3: {  	[hbm4b:s15+s3] =	stream.indirect_vreg.scatter [tilespmem:s30], [sflag:$0x7], $0x80, v4, vm0, $0xb8;
	[tilespmem:$0x18100] =	vst v63  }
.Ltmp4:
0xd4: {  	s31 =	simm.s32 $0xF800;
	(pc) =	sbr.rel .LBB2_6-.Ltmp4, $4  }
0xd5: {  	[hbm4b:s2+s3] =	stream.indirect_vreg.scatter [tilespmem:s31], [sflag:$0x7], $0x80, v4, vm0, $0xb8;
	[tilespmem:$0x18100] =	vst v63  }
0xd6: {  	_ =	swait.ge [sflag:s22], $0x10000  }
0xd7: {  	s7 =	smov.u32 s5;
	[sflag:s22] =	ssyncset.done $0x0  }
0xd8: {  	s1 =	simm.s32 $0x8;
	s0 =	simm.s32 $0x18000;
	[sflag:s22] =	ssyncadd.s32 $0xFFFF0000  }
.LBB2_7:
0xd9: {  	_ =	sfence.sel $0x180000  }
0xda: {  	[bflag:$0x0] =	sbarrier.arrive $0xFFFF  }
0xdb: {  	_ =	strace $0x90000047  }
0xdc: {  	s0 =	stileid.u32;
	[bflag:$0x2] =	sbarrier.arrive $0xFFFF  }
0xdd: {  	p0 =	sne.s32 s0, $0x0;
	s0 =	rddreg [dreg:$0x4]  }
0xde: {  	s0 =	sadd.s32 @!p0 $0x100000, s0  }
0xdf: {  	[sflag:s0] =	ssyncadd.tile.s32 @!p0 $0x1;
	_ =	shalt  }
.Lfunc_end2:
_tile_overlayer_lowered:
.L_overlay_start_2:
0xe0: {  	(tag) =	ssettag $0x2  }
0xe1: {  	s0 =	rddreg [dreg:$0x0];
	s2 =	stileid.u32  }
0xe2: {  	s1 =	rddreg [dreg:$0x1];
	p0 =	sne.s32 s2, $0x0  }
0xe3: {  	s3 =	rddreg [dreg:$0x2];
	[bflag:$0x3] =	sbarrier.arrive $0xFFFF;
	s2 =	simm.s32 @!p0 $0x1C08  }
0xe4: {  	[timem:s3], [sflag:s2] =	dma.local @!p0 [hbm:s0], s1  }
0xe5: {  	s0 =	simm.s32 @!p0 $0x8  }
0xe6: {  	_ =	swait.ge @!p0 [sflag:s0], s1  }
0xe7: {  	s1 =	ssub.s32 @!p0 $0x0, s1;
	[sflag:s0] =	ssyncset.done @!p0 $0x0  }
0xe8: {  	[sflag:s0] =	ssyncadd.s32 @!p0 s1  }
0xe9: {  	[bflag:$0x3] =	sbarrier.arrive $0xFFFF  }
0xea: {  	_ =	shalt  }

</sc_bundles>
